<compile_context>
chip_gen: v7x
topology: tpu7x:2x2x1
jax: 0.10.2.dev20260603
libtpu: 0.0.44.dev20260713+nightly
codegen_flags: <defaults>
</compile_context>

<pallas_src>
import functools

import jax
import jax.numpy as jnp
from jax import lax
from jax.experimental import pallas as pl
from jax.experimental.pallas import tpu as pltpu
from jax.experimental.pallas import tpu_sc as plsc

_K = 8192
_D = 256
_N = 9216
_TM = 512
_TK = 512
_NT = _N // _TM
_NC = _K // _TK


def _vq_body(zt_ref, cb_ref, cbbf_ref, idx_ref, loss_ref, bn_ref, acc_ref):
    t = pl.program_id(0)

    @pl.when(t == 0)
    def _():
        cb = cb_ref[...]
        bn_ref[...] = jnp.sum(cb * cb, axis=1, keepdims=True)
        acc_ref[0] = 0.0

    zt = zt_ref[...]
    an = jnp.sum(zt * zt, axis=0, keepdims=True)
    zbf = zt.astype(jnp.bfloat16)

    def step(c, carry):
        bv, bi = carry
        cbbf_c = cbbf_ref[pl.ds(c * _TK, _TK), :]
        m = lax.dot_general(cbbf_c, zbf, (((1,), (0,)), ((), ())),
                            preferred_element_type=jnp.float32)
        s = an + bn_ref[pl.ds(c * _TK, _TK), :]
        d = s - 2.0 * m
        lmin = jnp.min(d, axis=0, keepdims=True)
        rows = lax.broadcasted_iota(jnp.int32, (_TK, _TM), 0) + c * _TK
        larg = jnp.min(jnp.where(d == lmin, rows, _K), axis=0, keepdims=True)
        upd = lmin < bv
        return jnp.where(upd, lmin, bv), jnp.where(upd, larg, bi)

    per = 2048 // _TK
    cv, ci = [], []
    for c in range(4):
        bv, bi = (jnp.full((1, _TM), jnp.inf, jnp.float32),
                  jnp.zeros((1, _TM), jnp.int32))
        for s_ in range(per):
            bv, bi = step(c * per + s_, (bv, bi))
        cv.append(bv)
        ci.append(bi)

    def bfr(x):
        return x.astype(jnp.bfloat16).astype(jnp.float32)

    accv, acci = cv[0], ci[0]
    for c in (1, 2):
        win = bfr(cv[c]) < bfr(accv)
        accv = jnp.where(win, cv[c], accv)
        acci = jnp.where(win, ci[c], acci)
    win = cv[3] < bfr(accv)
    accv = jnp.where(win, cv[3], accv)
    acci = jnp.where(win, ci[3], acci)

    idx_ref[...] = acci[None]
    acc_ref[0] += jnp.sum(accv)

    @pl.when(t == _NT - 1)
    def _():
        loss_ref[0, 0] = 0.25 * (acc_ref[0] / (_N * _D))


_vq_call = pl.pallas_call(
    _vq_body,
    grid=(_NT,),
    in_specs=[
        pl.BlockSpec((_D, _TM), lambda t: (0, t)),
        pl.BlockSpec((_K, _D), lambda t: (0, 0)),
        pl.BlockSpec((_K, _D), lambda t: (0, 0)),
    ],
    out_specs=[
        pl.BlockSpec((1, 1, _TM), lambda t: (t, 0, 0)),
        pl.BlockSpec((1, 1), lambda t: (0, 0), memory_space=pltpu.SMEM),
    ],
    out_shape=[
        jax.ShapeDtypeStruct((_NT, 1, _TM), jnp.int32),
        jax.ShapeDtypeStruct((1, 1), jnp.float32),
    ],
    scratch_shapes=[
        pltpu.VMEM((_K, 1), jnp.float32),
        pltpu.SMEM((1,), jnp.float32),
    ],
    compiler_params=pltpu.CompilerParams(
        dimension_semantics=("arbitrary",)),
)


_SC_GATHER = None


def _get_sc_gather():
    global _SC_GATHER
    if _SC_GATHER is not None:
        return _SC_GATHER
    info = plsc.get_sparse_core_info()
    ncores = info.num_cores
    nw = ncores * info.num_subcores
    bpw = _N // nw

    @functools.partial(
        pl.kernel,
        out_type=jax.ShapeDtypeStruct((_N, _D), jnp.float32),
        mesh=plsc.VectorSubcoreMesh(core_axis_name="c", subcore_axis_name="s"),
        scratch_types=[
            pltpu.VMEM((bpw,), jnp.int32),
            pltpu.VMEM((bpw, _D), jnp.float32),
            pltpu.SemaphoreType.DMA,
        ],
    )
    def _sc_gather(table_hbm, idx_hbm, out_hbm, idx_v, rows_v, sem):
        wid = lax.axis_index("s") * ncores + lax.axis_index("c")
        base = wid * bpw
        pltpu.sync_copy(idx_hbm.at[pl.ds(base, bpw)], idx_v)
        pltpu.async_copy(table_hbm.at[idx_v], rows_v, sem).wait()
        pltpu.sync_copy(rows_v, out_hbm.at[pl.ds(base, bpw)])

    _SC_GATHER = _sc_gather
    return _sc_gather


def kernel(z_e, codebook):
    flat = z_e.reshape(_N, _D)
    zt = flat.T
    cbbf = codebook.astype(jnp.bfloat16)
    idx3, loss = _vq_call(zt, codebook, cbbf)
    flat_idx = idx3.reshape(_N)
    q = _get_sc_gather()(codebook, flat_idx)
    return q.reshape(z_e.shape), flat_idx.reshape(z_e.shape[:-1]), loss.reshape(())

# --- scband reference (transcript-rebuilt; emitter-appended) ---
"""Pipeline reference for scband-vector-quantizer-73710228734428 (READ-ONLY COPY).

The authoritative reference and input builder live on the scoring server;
editing this copy changes nothing except your own understanding.
"""

import jax, jax.numpy as jnp
import numpy as np

K = 8192
D = 256
B = 16
S = 576

def setup_inputs(seed: int = 0) -> dict:
    key = jax.random.key(seed)
    k1, k2 = jax.random.split(key)
    z_e = jax.random.normal(k1, (B, S, D), dtype=jnp.float32)
    codebook = jax.random.uniform(k2, (K, D), dtype=jnp.float32, minval=-1.0 / K, maxval=1.0 / K)
    return {"z_e": z_e, "codebook": codebook}

def reference(z_e, codebook):
    # Eval-mode forward of VectorQuantizer (EMA buffer updates are training-only side effects).
    commitment_cost = 0.25
    flat = z_e.reshape(-1, codebook.shape[1])
    distances = (jnp.sum(flat ** 2, axis=1, keepdims=True)
                 + jnp.sum(codebook ** 2, axis=1)
                 - 2.0 * flat @ codebook.T)
    flat_indices = jnp.argmin(distances, axis=1)
    quantized = jnp.take(codebook, flat_indices, axis=0).reshape(z_e.shape)
    indices = flat_indices.reshape(z_e.shape[:-1])
    e_latent_loss = jnp.mean((jax.lax.stop_gradient(quantized) - z_e) ** 2)
    loss = commitment_cost * e_latent_loss
    quantized_st = z_e + jax.lax.stop_gradient(quantized - z_e)
    return (quantized_st, indices, loss)

if __name__ == "__main__":
    import jax
    _d = setup_inputs()
    print(jax.jit(kernel)(*tuple(_d.values())))

</pallas_src>

<mosaic_0001>
#map = affine_map<(d0, d1) -> (0, 0)>
#map1 = affine_map<(d0, d1) -> (0)>
module attributes {stable_mosaic.version = 14 : i64} {
  func.func @_sc_gather(%arg0: i32, %arg1: i32, %arg2: memref<8192x256xf32, #tpu.memory_space<hbm>>, %arg3: memref<9216xi32, #tpu.memory_space<hbm>>, %arg4: memref<9216x256xf32, #tpu.memory_space<hbm>>, %arg5: memref<288xi32, #tpu.memory_space<vmem>>, %arg6: memref<288x256xf32, #tpu.memory_space<vmem>>, %arg7: memref<!tpu.dma_semaphore, #tpu.memory_space<semaphore_mem>>) attributes {dimension_semantics = [#tpu.dimension_semantics<core_parallel>, #tpu.dimension_semantics<subcore_parallel>], iteration_bounds = array<i64: 2, 16>, scalar_prefetch = 0 : i64, scratch_operands = 3 : i64, tpu.core_type = #tpu.core_type<sc_vector_subcore>, window_params = [{transform_indices = #map}, {transform_indices = #map1}, {transform_indices = #map}]} {
    %mul3A = arith.constant 2 : i32
    %mul3A_0 = arith.muli %arg1, %mul3A : i32
    %add3A = arith.addi %mul3A_0, %arg0 : i32
    %mul3A_1 = arith.constant 288 : i32
    %mul3A_2 = arith.muli %add3A, %mul3A_1 : i32
    "tpu.region"() ({
      %run_scoped3A = tpu.sem_alloc : memref<!tpu.dma_semaphore, #tpu.memory_space<semaphore_mem>>
      %dma_start3A_7 = tpu.memref_slice %arg3[%mul3A_2] : memref<9216xi32, #tpu.memory_space<hbm>> -> memref<288xi32, #tpu.memory_space<hbm>>
      %dma_start3A_8 = tpu.memref_slice %arg3[%mul3A_2] : memref<9216xi32, #tpu.memory_space<hbm>> -> memref<288xi32, #tpu.memory_space<hbm>>
      tpu.enqueue_dma source(%dma_start3A_8 : memref<288xi32, #tpu.memory_space<hbm>>) target(%arg5 : memref<288xi32, #tpu.memory_space<vmem>>) target_semaphore(%run_scoped3A : memref<!tpu.dma_semaphore, #tpu.memory_space<semaphore_mem>>)
      %dma_wait3A_9 = tpu.memref_slice %arg3[%mul3A_2] : memref<9216xi32, #tpu.memory_space<hbm>> -> memref<288xi32, #tpu.memory_space<hbm>>
      %dma_wait3A_10 = tpu.memref_slice %arg3[%mul3A_2] : memref<9216xi32, #tpu.memory_space<hbm>> -> memref<288xi32, #tpu.memory_space<hbm>>
      tpu.wait_dma2 semaphore(%run_scoped3A : memref<!tpu.dma_semaphore, #tpu.memory_space<semaphore_mem>>) src(%dma_wait3A_10 : memref<288xi32, #tpu.memory_space<hbm>>) dst(%arg5 : memref<288xi32, #tpu.memory_space<vmem>>)
      tpu.yield
    }) : () -> ()
    %dma_start3A = arith.constant 0 : i32
    %dma_start3A_3 = arith.constant 0 : i32
    %dma_start3A_4 = tpu.memref_slice %arg2[%dma_start3A, %dma_start3A_3] : memref<8192x256xf32, #tpu.memory_space<hbm>> -> memref<8192x256xf32, #tpu.memory_space<hbm>>
    tpu.enqueue_indirect_dma source(%dma_start3A_4 : memref<8192x256xf32, #tpu.memory_space<hbm>>) target(%arg6 : memref<288x256xf32, #tpu.memory_space<vmem>>) offsets(%arg5 : memref<288xi32, #tpu.memory_space<vmem>>) semaphore(%arg7 : memref<!tpu.dma_semaphore, #tpu.memory_space<semaphore_mem>>)
    %dma_wait3A = arith.constant 0 : i32
    %dma_wait3A_5 = arith.constant 0 : i32
    %dma_wait3A_6 = tpu.memref_slice %arg2[%dma_wait3A, %dma_wait3A_5] : memref<8192x256xf32, #tpu.memory_space<hbm>> -> memref<8192x256xf32, #tpu.memory_space<hbm>>
    tpu.wait_indirect_dma semaphore(%arg7 : memref<!tpu.dma_semaphore, #tpu.memory_space<semaphore_mem>>) src(%dma_wait3A_6 : memref<8192x256xf32, #tpu.memory_space<hbm>>) dst(%arg6 : memref<288x256xf32, #tpu.memory_space<vmem>>)
    "tpu.region"() ({
      %run_scoped3A = tpu.sem_alloc : memref<!tpu.dma_semaphore, #tpu.memory_space<semaphore_mem>>
      %dma_start3A_7 = arith.constant 0 : i32
      %dma_start3A_8 = tpu.memref_slice %arg4[%mul3A_2, %dma_start3A_7] : memref<9216x256xf32, #tpu.memory_space<hbm>> -> memref<288x256xf32, #tpu.memory_space<hbm>>
      %dma_start3A_9 = arith.constant 0 : i32
      %dma_start3A_10 = tpu.memref_slice %arg4[%mul3A_2, %dma_start3A_9] : memref<9216x256xf32, #tpu.memory_space<hbm>> -> memref<288x256xf32, #tpu.memory_space<hbm>>
      tpu.enqueue_dma source(%arg6 : memref<288x256xf32, #tpu.memory_space<vmem>>) target(%dma_start3A_10 : memref<288x256xf32, #tpu.memory_space<hbm>>) target_semaphore(%run_scoped3A : memref<!tpu.dma_semaphore, #tpu.memory_space<semaphore_mem>>)
      %dma_wait3A_11 = arith.constant 0 : i32
      %dma_wait3A_12 = tpu.memref_slice %arg4[%mul3A_2, %dma_wait3A_11] : memref<9216x256xf32, #tpu.memory_space<hbm>> -> memref<288x256xf32, #tpu.memory_space<hbm>>
      %dma_wait3A_13 = arith.constant 0 : i32
      %dma_wait3A_14 = tpu.memref_slice %arg4[%mul3A_2, %dma_wait3A_13] : memref<9216x256xf32, #tpu.memory_space<hbm>> -> memref<288x256xf32, #tpu.memory_space<hbm>>
      tpu.wait_dma2 semaphore(%run_scoped3A : memref<!tpu.dma_semaphore, #tpu.memory_space<semaphore_mem>>) src(%arg6 : memref<288x256xf32, #tpu.memory_space<vmem>>) dst(%dma_wait3A_14 : memref<288x256xf32, #tpu.memory_space<hbm>>)
      tpu.yield
    }) : () -> ()
    return
  }
}

module attributes {stable_mosaic.version = 14 : i64} {
  func.func @_vq_body(%arg0: i32, %arg1: memref<256x512xf32, #tpu.memory_space<vmem>>, %arg2: memref<8192x256xf32, #tpu.memory_space<vmem>>, %arg3: memref<8192x256xbf16, #tpu.memory_space<vmem>>, %arg4: memref<1x1x512xi32, #tpu.memory_space<vmem>>, %arg5: memref<1x1xf32, #tpu.memory_space<smem>>, %arg6: memref<8192x1xf32, #tpu.memory_space<vmem>>, %arg7: memref<1xf32, #tpu.memory_space<smem>>) attributes {dimension_semantics = [#tpu.dimension_semantics<arbitrary>], iteration_bounds = array<i64: 18>, scalar_prefetch = 0 : i64, scratch_operands = 2 : i64, tpu.core_type = #tpu.core_type<tc>, window_params = [{transform_indices = @transform_0, window_bounds = array<i64: 256, 512>}, {pipeline_mode = #tpu.pipeline_mode<synchronous>, transform_indices = @transform_1, window_bounds = array<i64: 8192, 256>}, {pipeline_mode = #tpu.pipeline_mode<synchronous>, transform_indices = @transform_2, window_bounds = array<i64: 8192, 256>}, {transform_indices = @transform_3, window_bounds = array<i64: 1, 1, 512>}, {transform_indices = @transform_4, window_bounds = array<i64: 1, 1>}]} {
    %eq3A = arith.constant 0 : i32
    %eq3A_0 = arith.cmpi eq, %arg0, %eq3A : i32
    %convert_element_type3A = arith.extui %eq3A_0 : i1 to i32
    %cond3A = arith.constant 0 : i32
    %cond3A_1 = arith.cmpi ne, %convert_element_type3A, %cond3A : i32
    scf.if %cond3A_1 {
      %get3A_580 = arith.constant 0 : index
      %get3A_581 = arith.constant 0 : index
      %get3A_582 = vector.load %arg2[%get3A_580, %get3A_581] : memref<8192x256xf32, #tpu.memory_space<vmem>>, vector<8192x256xf32>
      %mul3A_583 = arith.mulf %get3A_582, %get3A_582 : vector<8192x256xf32>
      %reduce_sum3A_584 = arith.constant dense<0.000000e+00> : vector<8192xf32>
      %reduce_sum3A_585 = vector.multi_reduction <add>, %mul3A_583, %reduce_sum3A_584 [1] : vector<8192x256xf32> to vector<8192xf32>
      %broadcast_in_dim3A_586 = vector.shape_cast %reduce_sum3A_585 : vector<8192xf32> to vector<8192x1xf32>
      %swap3A_587 = arith.constant 0 : index
      %swap3A_588 = arith.constant 0 : index
      %swap3A_589 = vector.load %arg6[%swap3A_587, %swap3A_588] : memref<8192x1xf32, #tpu.memory_space<vmem>>, vector<8192x1xf32>
      tpu.vector_store %arg6[%swap3A_587, %swap3A_588], %broadcast_in_dim3A_586 {strides = array<i32>} : memref<8192x1xf32, #tpu.memory_space<vmem>>, vector<8192x1xf32>,
      %swap3A_590 = arith.constant 0.000000e+00 : f32
      %swap3A_591 = arith.constant 0 : index
      %swap3A_592 = memref.load %arg7[%swap3A_591] : memref<1xf32, #tpu.memory_space<smem>>
      memref.store %swap3A_590, %arg7[%swap3A_591] : memref<1xf32, #tpu.memory_space<smem>>
    } else {
    }
    %get3A = arith.constant 0 : index
    %get3A_2 = arith.constant 0 : index
    %get3A_3 = vector.load %arg1[%get3A, %get3A_2] : memref<256x512xf32, #tpu.memory_space<vmem>>, vector<256x512xf32>
    %mul3A = arith.mulf %get3A_3, %get3A_3 : vector<256x512xf32>
    %reduce_sum3A = arith.constant dense<0.000000e+00> : vector<512xf32>
    %reduce_sum3A_4 = vector.multi_reduction <add>, %mul3A, %reduce_sum3A [0] : vector<256x512xf32> to vector<512xf32>
    %broadcast_in_dim3A = vector.shape_cast %reduce_sum3A_4 : vector<512xf32> to vector<1x512xf32>
    %convert_element_type3A_5 = arith.truncf %get3A_3 : vector<256x512xf32> to vector<256x512xbf16>
    %broadcast_in_dim3A_6 = arith.constant 0x7F800000 : f32
    %broadcast_in_dim3A_7 = vector.broadcast %broadcast_in_dim3A_6 : f32 to vector<1x512xf32>
    %broadcast_in_dim3A_8 = arith.constant 0 : i32
    %broadcast_in_dim3A_9 = vector.broadcast %broadcast_in_dim3A_8 : i32 to vector<1x512xi32>
    %get3A_10 = arith.constant 0 : index
    %get3A_11 = arith.constant 0 : index
    %get3A_12 = vector.load %arg3[%get3A_10, %get3A_11] : memref<8192x256xbf16, #tpu.memory_space<vmem>>, vector<512x256xbf16>
    %dot_general3A = arith.constant dense<0.000000e+00> : vector<512x512xf32>
    %dot_general3A_13 = tpu.matmul %get3A_12, %convert_element_type3A_5, %dot_general3A {dimension_numbers = #tpu.dot_dimension_numbers<[1], [0], [0], [1], [0, 0, 1, 1], [], []>, transpose_lhs_hint = false} : vector<512x256xbf16>, vector<256x512xbf16>, vector<512x512xf32> -> vector<512x512xf32>
    %get3A_14 = arith.constant 0 : index
    %get3A_15 = arith.constant 0 : index
    %get3A_16 = vector.load %arg6[%get3A_14, %get3A_15] : memref<8192x1xf32, #tpu.memory_space<vmem>>, vector<512x1xf32>
    %add3A = vector.broadcast %broadcast_in_dim3A : vector<1x512xf32> to vector<512x512xf32>
    %add3A_17 = vector.broadcast %get3A_16 : vector<512x1xf32> to vector<512x512xf32>
    %add3A_18 = arith.addf %add3A, %add3A_17 : vector<512x512xf32>
    %mul3A_19 = arith.constant 2.000000e+00 : f32
    %mul3A_20 = vector.broadcast %mul3A_19 : f32 to vector<512x512xf32>
    %mul3A_21 = arith.mulf %mul3A_20, %dot_general3A_13 : vector<512x512xf32>
    %sub3A = arith.subf %add3A_18, %mul3A_21 : vector<512x512xf32>
    %reduce_min3A = arith.constant dense<0x7F800000> : vector<512xf32>
    %reduce_min3A_22 = vector.multi_reduction <minimumf>, %sub3A, %reduce_min3A [0] : vector<512x512xf32> to vector<512xf32>
    %broadcast_in_dim3A_23 = vector.shape_cast %reduce_min3A_22 : vector<512xf32> to vector<1x512xf32>
    %iota3A = tpu.iota {dimensions = array<i32: 0>} : vector<512x512xi32>
    %add3A_24 = arith.constant 0 : i32
    %add3A_25 = vector.broadcast %add3A_24 : i32 to vector<512x512xi32>
    %add3A_26 = arith.addi %iota3A, %add3A_25 : vector<512x512xi32>
    %eq3A_27 = vector.broadcast %broadcast_in_dim3A_23 : vector<1x512xf32> to vector<512x512xf32>
    %eq3A_28 = arith.cmpf oeq, %sub3A, %eq3A_27 : vector<512x512xf32>
    %jit3A = arith.constant 8192 : i32
    %broadcast_in_dim3A_29 = vector.broadcast %jit3A : i32 to vector<512x512xi32>
    %select_n3A = arith.select %eq3A_28, %add3A_26, %broadcast_in_dim3A_29 : vector<512x512xi1>, vector<512x512xi32>
    %reduce_min3A_30 = arith.constant dense<2147483647> : vector<512xi32>
    %reduce_min3A_31 = vector.multi_reduction <minsi>, %select_n3A, %reduce_min3A_30 [0] : vector<512x512xi32> to vector<512xi32>
    %broadcast_in_dim3A_32 = vector.shape_cast %reduce_min3A_31 : vector<512xi32> to vector<1x512xi32>
    %lt3A = arith.cmpf olt, %broadcast_in_dim3A_23, %broadcast_in_dim3A_7 : vector<1x512xf32>
    %select_n3A_33 = arith.select %lt3A, %broadcast_in_dim3A_23, %broadcast_in_dim3A_7 : vector<1x512xi1>, vector<1x512xf32>
    %select_n3A_34 = arith.select %lt3A, %broadcast_in_dim3A_32, %broadcast_in_dim3A_9 : vector<1x512xi1>, vector<1x512xi32>
    %get3A_35 = arith.constant 512 : index
    %get3A_36 = arith.constant 0 : index
    %get3A_37 = vector.load %arg3[%get3A_35, %get3A_36] : memref<8192x256xbf16, #tpu.memory_space<vmem>>, vector<512x256xbf16>
    %dot_general3A_38 = arith.constant dense<0.000000e+00> : vector<512x512xf32>
    %dot_general3A_39 = tpu.matmul %get3A_37, %convert_element_type3A_5, %dot_general3A_38 {dimension_numbers = #tpu.dot_dimension_numbers<[1], [0], [0], [1], [0, 0, 1, 1], [], []>, transpose_lhs_hint = false} : vector<512x256xbf16>, vector<256x512xbf16>, vector<512x512xf32> -> vector<512x512xf32>
    %get3A_40 = arith.constant 512 : index
    %get3A_41 = arith.constant 0 : index
    %get3A_42 = vector.load %arg6[%get3A_40, %get3A_41] : memref<8192x1xf32, #tpu.memory_space<vmem>>, vector<512x1xf32>
    %add3A_43 = vector.broadcast %broadcast_in_dim3A : vector<1x512xf32> to vector<512x512xf32>
    %add3A_44 = vector.broadcast %get3A_42 : vector<512x1xf32> to vector<512x512xf32>
    %add3A_45 = arith.addf %add3A_43, %add3A_44 : vector<512x512xf32>
    %mul3A_46 = arith.constant 2.000000e+00 : f32
    %mul3A_47 = vector.broadcast %mul3A_46 : f32 to vector<512x512xf32>
    %mul3A_48 = arith.mulf %mul3A_47, %dot_general3A_39 : vector<512x512xf32>
    %sub3A_49 = arith.subf %add3A_45, %mul3A_48 : vector<512x512xf32>
    %reduce_min3A_50 = arith.constant dense<0x7F800000> : vector<512xf32>
    %reduce_min3A_51 = vector.multi_reduction <minimumf>, %sub3A_49, %reduce_min3A_50 [0] : vector<512x512xf32> to vector<512xf32>
    %broadcast_in_dim3A_52 = vector.shape_cast %reduce_min3A_51 : vector<512xf32> to vector<1x512xf32>
    %iota3A_53 = tpu.iota {dimensions = array<i32: 0>} : vector<512x512xi32>
    %add3A_54 = arith.constant 512 : i32
    %add3A_55 = vector.broadcast %add3A_54 : i32 to vector<512x512xi32>
    %add3A_56 = arith.addi %iota3A_53, %add3A_55 : vector<512x512xi32>
    %eq3A_57 = vector.broadcast %broadcast_in_dim3A_52 : vector<1x512xf32> to vector<512x512xf32>
    %eq3A_58 = arith.cmpf oeq, %sub3A_49, %eq3A_57 : vector<512x512xf32>
    %jit3A_59 = arith.constant 8192 : i32
    %broadcast_in_dim3A_60 = vector.broadcast %jit3A_59 : i32 to vector<512x512xi32>
    %select_n3A_61 = arith.select %eq3A_58, %add3A_56, %broadcast_in_dim3A_60 : vector<512x512xi1>, vector<512x512xi32>
    %reduce_min3A_62 = arith.constant dense<2147483647> : vector<512xi32>
    %reduce_min3A_63 = vector.multi_reduction <minsi>, %select_n3A_61, %reduce_min3A_62 [0] : vector<512x512xi32> to vector<512xi32>
    %broadcast_in_dim3A_64 = vector.shape_cast %reduce_min3A_63 : vector<512xi32> to vector<1x512xi32>
    %lt3A_65 = arith.cmpf olt, %broadcast_in_dim3A_52, %select_n3A_33 : vector<1x512xf32>
    %select_n3A_66 = arith.select %lt3A_65, %broadcast_in_dim3A_52, %select_n3A_33 : vector<1x512xi1>, vector<1x512xf32>
    %select_n3A_67 = arith.select %lt3A_65, %broadcast_in_dim3A_64, %select_n3A_34 : vector<1x512xi1>, vector<1x512xi32>
    %get3A_68 = arith.constant 1024 : index
    %get3A_69 = arith.constant 0 : index
    %get3A_70 = vector.load %arg3[%get3A_68, %get3A_69] : memref<8192x256xbf16, #tpu.memory_space<vmem>>, vector<512x256xbf16>
    %dot_general3A_71 = arith.constant dense<0.000000e+00> : vector<512x512xf32>
    %dot_general3A_72 = tpu.matmul %get3A_70, %convert_element_type3A_5, %dot_general3A_71 {dimension_numbers = #tpu.dot_dimension_numbers<[1], [0], [0], [1], [0, 0, 1, 1], [], []>, transpose_lhs_hint = false} : vector<512x256xbf16>, vector<256x512xbf16>, vector<512x512xf32> -> vector<512x512xf32>
    %get3A_73 = arith.constant 1024 : index
    %get3A_74 = arith.constant 0 : index
    %get3A_75 = vector.load %arg6[%get3A_73, %get3A_74] : memref<8192x1xf32, #tpu.memory_space<vmem>>, vector<512x1xf32>
    %add3A_76 = vector.broadcast %broadcast_in_dim3A : vector<1x512xf32> to vector<512x512xf32>
    %add3A_77 = vector.broadcast %get3A_75 : vector<512x1xf32> to vector<512x512xf32>
    %add3A_78 = arith.addf %add3A_76, %add3A_77 : vector<512x512xf32>
    %mul3A_79 = arith.constant 2.000000e+00 : f32
    %mul3A_80 = vector.broadcast %mul3A_79 : f32 to vector<512x512xf32>
    %mul3A_81 = arith.mulf %mul3A_80, %dot_general3A_72 : vector<512x512xf32>
    %sub3A_82 = arith.subf %add3A_78, %mul3A_81 : vector<512x512xf32>
    %reduce_min3A_83 = arith.constant dense<0x7F800000> : vector<512xf32>
    %reduce_min3A_84 = vector.multi_reduction <minimumf>, %sub3A_82, %reduce_min3A_83 [0] : vector<512x512xf32> to vector<512xf32>
    %broadcast_in_dim3A_85 = vector.shape_cast %reduce_min3A_84 : vector<512xf32> to vector<1x512xf32>
    %iota3A_86 = tpu.iota {dimensions = array<i32: 0>} : vector<512x512xi32>
    %add3A_87 = arith.constant 1024 : i32
    %add3A_88 = vector.broadcast %add3A_87 : i32 to vector<512x512xi32>
    %add3A_89 = arith.addi %iota3A_86, %add3A_88 : vector<512x512xi32>
    %eq3A_90 = vector.broadcast %broadcast_in_dim3A_85 : vector<1x512xf32> to vector<512x512xf32>
    %eq3A_91 = arith.cmpf oeq, %sub3A_82, %eq3A_90 : vector<512x512xf32>
    %jit3A_92 = arith.constant 8192 : i32
    %broadcast_in_dim3A_93 = vector.broadcast %jit3A_92 : i32 to vector<512x512xi32>
    %select_n3A_94 = arith.select %eq3A_91, %add3A_89, %broadcast_in_dim3A_93 : vector<512x512xi1>, vector<512x512xi32>
    %reduce_min3A_95 = arith.constant dense<2147483647> : vector<512xi32>
    %reduce_min3A_96 = vector.multi_reduction <minsi>, %select_n3A_94, %reduce_min3A_95 [0] : vector<512x512xi32> to vector<512xi32>
    %broadcast_in_dim3A_97 = vector.shape_cast %reduce_min3A_96 : vector<512xi32> to vector<1x512xi32>
    %lt3A_98 = arith.cmpf olt, %broadcast_in_dim3A_85, %select_n3A_66 : vector<1x512xf32>
    %select_n3A_99 = arith.select %lt3A_98, %broadcast_in_dim3A_85, %select_n3A_66 : vector<1x512xi1>, vector<1x512xf32>
    %select_n3A_100 = arith.select %lt3A_98, %broadcast_in_dim3A_97, %select_n3A_67 : vector<1x512xi1>, vector<1x512xi32>
    %get3A_101 = arith.constant 1536 : index
    %get3A_102 = arith.constant 0 : index
    %get3A_103 = vector.load %arg3[%get3A_101, %get3A_102] : memref<8192x256xbf16, #tpu.memory_space<vmem>>, vector<512x256xbf16>
    %dot_general3A_104 = arith.constant dense<0.000000e+00> : vector<512x512xf32>
    %dot_general3A_105 = tpu.matmul %get3A_103, %convert_element_type3A_5, %dot_general3A_104 {dimension_numbers = #tpu.dot_dimension_numbers<[1], [0], [0], [1], [0, 0, 1, 1], [], []>, transpose_lhs_hint = false} : vector<512x256xbf16>, vector<256x512xbf16>, vector<512x512xf32> -> vector<512x512xf32>
    %get3A_106 = arith.constant 1536 : index
    %get3A_107 = arith.constant 0 : index
    %get3A_108 = vector.load %arg6[%get3A_106, %get3A_107] : memref<8192x1xf32, #tpu.memory_space<vmem>>, vector<512x1xf32>
    %add3A_109 = vector.broadcast %broadcast_in_dim3A : vector<1x512xf32> to vector<512x512xf32>
    %add3A_110 = vector.broadcast %get3A_108 : vector<512x1xf32> to vector<512x512xf32>
    %add3A_111 = arith.addf %add3A_109, %add3A_110 : vector<512x512xf32>
    %mul3A_112 = arith.constant 2.000000e+00 : f32
    %mul3A_113 = vector.broadcast %mul3A_112 : f32 to vector<512x512xf32>
    %mul3A_114 = arith.mulf %mul3A_113, %dot_general3A_105 : vector<512x512xf32>
    %sub3A_115 = arith.subf %add3A_111, %mul3A_114 : vector<512x512xf32>
    %reduce_min3A_116 = arith.constant dense<0x7F800000> : vector<512xf32>
    %reduce_min3A_117 = vector.multi_reduction <minimumf>, %sub3A_115, %reduce_min3A_116 [0] : vector<512x512xf32> to vector<512xf32>
    %broadcast_in_dim3A_118 = vector.shape_cast %reduce_min3A_117 : vector<512xf32> to vector<1x512xf32>
    %iota3A_119 = tpu.iota {dimensions = array<i32: 0>} : vector<512x512xi32>
    %add3A_120 = arith.constant 1536 : i32
    %add3A_121 = vector.broadcast %add3A_120 : i32 to vector<512x512xi32>
    %add3A_122 = arith.addi %iota3A_119, %add3A_121 : vector<512x512xi32>
    %eq3A_123 = vector.broadcast %broadcast_in_dim3A_118 : vector<1x512xf32> to vector<512x512xf32>
    %eq3A_124 = arith.cmpf oeq, %sub3A_115, %eq3A_123 : vector<512x512xf32>
    %jit3A_125 = arith.constant 8192 : i32
    %broadcast_in_dim3A_126 = vector.broadcast %jit3A_125 : i32 to vector<512x512xi32>
    %select_n3A_127 = arith.select %eq3A_124, %add3A_122, %broadcast_in_dim3A_126 : vector<512x512xi1>, vector<512x512xi32>
    %reduce_min3A_128 = arith.constant dense<2147483647> : vector<512xi32>
    %reduce_min3A_129 = vector.multi_reduction <minsi>, %select_n3A_127, %reduce_min3A_128 [0] : vector<512x512xi32> to vector<512xi32>
    %broadcast_in_dim3A_130 = vector.shape_cast %reduce_min3A_129 : vector<512xi32> to vector<1x512xi32>
    %lt3A_131 = arith.cmpf olt, %broadcast_in_dim3A_118, %select_n3A_99 : vector<1x512xf32>
    %select_n3A_132 = arith.select %lt3A_131, %broadcast_in_dim3A_118, %select_n3A_99 : vector<1x512xi1>, vector<1x512xf32>
    %select_n3A_133 = arith.select %lt3A_131, %broadcast_in_dim3A_130, %select_n3A_100 : vector<1x512xi1>, vector<1x512xi32>
    %broadcast_in_dim3A_134 = arith.constant 0x7F800000 : f32
    %broadcast_in_dim3A_135 = vector.broadcast %broadcast_in_dim3A_134 : f32 to vector<1x512xf32>
    %broadcast_in_dim3A_136 = arith.constant 0 : i32
    %broadcast_in_dim3A_137 = vector.broadcast %broadcast_in_dim3A_136 : i32 to vector<1x512xi32>
    %get3A_138 = arith.constant 2048 : index
    %get3A_139 = arith.constant 0 : index
    %get3A_140 = vector.load %arg3[%get3A_138, %get3A_139] : memref<8192x256xbf16, #tpu.memory_space<vmem>>, vector<512x256xbf16>
    %dot_general3A_141 = arith.constant dense<0.000000e+00> : vector<512x512xf32>
    %dot_general3A_142 = tpu.matmul %get3A_140, %convert_element_type3A_5, %dot_general3A_141 {dimension_numbers = #tpu.dot_dimension_numbers<[1], [0], [0], [1], [0, 0, 1, 1], [], []>, transpose_lhs_hint = false} : vector<512x256xbf16>, vector<256x512xbf16>, vector<512x512xf32> -> vector<512x512xf32>
    %get3A_143 = arith.constant 2048 : index
    %get3A_144 = arith.constant 0 : index
    %get3A_145 = vector.load %arg6[%get3A_143, %get3A_144] : memref<8192x1xf32, #tpu.memory_space<vmem>>, vector<512x1xf32>
    %add3A_146 = vector.broadcast %broadcast_in_dim3A : vector<1x512xf32> to vector<512x512xf32>
    %add3A_147 = vector.broadcast %get3A_145 : vector<512x1xf32> to vector<512x512xf32>
    %add3A_148 = arith.addf %add3A_146, %add3A_147 : vector<512x512xf32>
    %mul3A_149 = arith.constant 2.000000e+00 : f32
    %mul3A_150 = vector.broadcast %mul3A_149 : f32 to vector<512x512xf32>
    %mul3A_151 = arith.mulf %mul3A_150, %dot_general3A_142 : vector<512x512xf32>
    %sub3A_152 = arith.subf %add3A_148, %mul3A_151 : vector<512x512xf32>
    %reduce_min3A_153 = arith.constant dense<0x7F800000> : vector<512xf32>
    %reduce_min3A_154 = vector.multi_reduction <minimumf>, %sub3A_152, %reduce_min3A_153 [0] : vector<512x512xf32> to vector<512xf32>
    %broadcast_in_dim3A_155 = vector.shape_cast %reduce_min3A_154 : vector<512xf32> to vector<1x512xf32>
    %iota3A_156 = tpu.iota {dimensions = array<i32: 0>} : vector<512x512xi32>
    %add3A_157 = arith.constant 2048 : i32
    %add3A_158 = vector.broadcast %add3A_157 : i32 to vector<512x512xi32>
    %add3A_159 = arith.addi %iota3A_156, %add3A_158 : vector<512x512xi32>
    %eq3A_160 = vector.broadcast %broadcast_in_dim3A_155 : vector<1x512xf32> to vector<512x512xf32>
    %eq3A_161 = arith.cmpf oeq, %sub3A_152, %eq3A_160 : vector<512x512xf32>
    %jit3A_162 = arith.constant 8192 : i32
    %broadcast_in_dim3A_163 = vector.broadcast %jit3A_162 : i32 to vector<512x512xi32>
    %select_n3A_164 = arith.select %eq3A_161, %add3A_159, %broadcast_in_dim3A_163 : vector<512x512xi1>, vector<512x512xi32>
    %reduce_min3A_165 = arith.constant dense<2147483647> : vector<512xi32>
    %reduce_min3A_166 = vector.multi_reduction <minsi>, %select_n3A_164, %reduce_min3A_165 [0] : vector<512x512xi32> to vector<512xi32>
    %broadcast_in_dim3A_167 = vector.shape_cast %reduce_min3A_166 : vector<512xi32> to vector<1x512xi32>
    %lt3A_168 = arith.cmpf olt, %broadcast_in_dim3A_155, %broadcast_in_dim3A_135 : vector<1x512xf32>
    %select_n3A_169 = arith.select %lt3A_168, %broadcast_in_dim3A_155, %broadcast_in_dim3A_135 : vector<1x512xi1>, vector<1x512xf32>
    %select_n3A_170 = arith.select %lt3A_168, %broadcast_in_dim3A_167, %broadcast_in_dim3A_137 : vector<1x512xi1>, vector<1x512xi32>
    %get3A_171 = arith.constant 2560 : index
    %get3A_172 = arith.constant 0 : index
    %get3A_173 = vector.load %arg3[%get3A_171, %get3A_172] : memref<8192x256xbf16, #tpu.memory_space<vmem>>, vector<512x256xbf16>
    %dot_general3A_174 = arith.constant dense<0.000000e+00> : vector<512x512xf32>
    %dot_general3A_175 = tpu.matmul %get3A_173, %convert_element_type3A_5, %dot_general3A_174 {dimension_numbers = #tpu.dot_dimension_numbers<[1], [0], [0], [1], [0, 0, 1, 1], [], []>, transpose_lhs_hint = false} : vector<512x256xbf16>, vector<256x512xbf16>, vector<512x512xf32> -> vector<512x512xf32>
    %get3A_176 = arith.constant 2560 : index
    %get3A_177 = arith.constant 0 : index
    %get3A_178 = vector.load %arg6[%get3A_176, %get3A_177] : memref<8192x1xf32, #tpu.memory_space<vmem>>, vector<512x1xf32>
    %add3A_179 = vector.broadcast %broadcast_in_dim3A : vector<1x512xf32> to vector<512x512xf32>
    %add3A_180 = vector.broadcast %get3A_178 : vector<512x1xf32> to vector<512x512xf32>
    %add3A_181 = arith.addf %add3A_179, %add3A_180 : vector<512x512xf32>
    %mul3A_182 = arith.constant 2.000000e+00 : f32
    %mul3A_183 = vector.broadcast %mul3A_182 : f32 to vector<512x512xf32>
    %mul3A_184 = arith.mulf %mul3A_183, %dot_general3A_175 : vector<512x512xf32>
    %sub3A_185 = arith.subf %add3A_181, %mul3A_184 : vector<512x512xf32>
    %reduce_min3A_186 = arith.constant dense<0x7F800000> : vector<512xf32>
    %reduce_min3A_187 = vector.multi_reduction <minimumf>, %sub3A_185, %reduce_min3A_186 [0] : vector<512x512xf32> to vector<512xf32>
    %broadcast_in_dim3A_188 = vector.shape_cast %reduce_min3A_187 : vector<512xf32> to vector<1x512xf32>
    %iota3A_189 = tpu.iota {dimensions = array<i32: 0>} : vector<512x512xi32>
    %add3A_190 = arith.constant 2560 : i32
    %add3A_191 = vector.broadcast %add3A_190 : i32 to vector<512x512xi32>
    %add3A_192 = arith.addi %iota3A_189, %add3A_191 : vector<512x512xi32>
    %eq3A_193 = vector.broadcast %broadcast_in_dim3A_188 : vector<1x512xf32> to vector<512x512xf32>
    %eq3A_194 = arith.cmpf oeq, %sub3A_185, %eq3A_193 : vector<512x512xf32>
    %jit3A_195 = arith.constant 8192 : i32
    %broadcast_in_dim3A_196 = vector.broadcast %jit3A_195 : i32 to vector<512x512xi32>
    %select_n3A_197 = arith.select %eq3A_194, %add3A_192, %broadcast_in_dim3A_196 : vector<512x512xi1>, vector<512x512xi32>
    %reduce_min3A_198 = arith.constant dense<2147483647> : vector<512xi32>
    %reduce_min3A_199 = vector.multi_reduction <minsi>, %select_n3A_197, %reduce_min3A_198 [0] : vector<512x512xi32> to vector<512xi32>
    %broadcast_in_dim3A_200 = vector.shape_cast %reduce_min3A_199 : vector<512xi32> to vector<1x512xi32>
    %lt3A_201 = arith.cmpf olt, %broadcast_in_dim3A_188, %select_n3A_169 : vector<1x512xf32>
    %select_n3A_202 = arith.select %lt3A_201, %broadcast_in_dim3A_188, %select_n3A_169 : vector<1x512xi1>, vector<1x512xf32>
    %select_n3A_203 = arith.select %lt3A_201, %broadcast_in_dim3A_200, %select_n3A_170 : vector<1x512xi1>, vector<1x512xi32>
    %get3A_204 = arith.constant 3072 : index
    %get3A_205 = arith.constant 0 : index
    %get3A_206 = vector.load %arg3[%get3A_204, %get3A_205] : memref<8192x256xbf16, #tpu.memory_space<vmem>>, vector<512x256xbf16>
    %dot_general3A_207 = arith.constant dense<0.000000e+00> : vector<512x512xf32>
    %dot_general3A_208 = tpu.matmul %get3A_206, %convert_element_type3A_5, %dot_general3A_207 {dimension_numbers = #tpu.dot_dimension_numbers<[1], [0], [0], [1], [0, 0, 1, 1], [], []>, transpose_lhs_hint = false} : vector<512x256xbf16>, vector<256x512xbf16>, vector<512x512xf32> -> vector<512x512xf32>
    %get3A_209 = arith.constant 3072 : index
    %get3A_210 = arith.constant 0 : index
    %get3A_211 = vector.load %arg6[%get3A_209, %get3A_210] : memref<8192x1xf32, #tpu.memory_space<vmem>>, vector<512x1xf32>
    %add3A_212 = vector.broadcast %broadcast_in_dim3A : vector<1x512xf32> to vector<512x512xf32>
    %add3A_213 = vector.broadcast %get3A_211 : vector<512x1xf32> to vector<512x512xf32>
    %add3A_214 = arith.addf %add3A_212, %add3A_213 : vector<512x512xf32>
    %mul3A_215 = arith.constant 2.000000e+00 : f32
    %mul3A_216 = vector.broadcast %mul3A_215 : f32 to vector<512x512xf32>
    %mul3A_217 = arith.mulf %mul3A_216, %dot_general3A_208 : vector<512x512xf32>
    %sub3A_218 = arith.subf %add3A_214, %mul3A_217 : vector<512x512xf32>
    %reduce_min3A_219 = arith.constant dense<0x7F800000> : vector<512xf32>
    %reduce_min3A_220 = vector.multi_reduction <minimumf>, %sub3A_218, %reduce_min3A_219 [0] : vector<512x512xf32> to vector<512xf32>
    %broadcast_in_dim3A_221 = vector.shape_cast %reduce_min3A_220 : vector<512xf32> to vector<1x512xf32>
    %iota3A_222 = tpu.iota {dimensions = array<i32: 0>} : vector<512x512xi32>
    %add3A_223 = arith.constant 3072 : i32
    %add3A_224 = vector.broadcast %add3A_223 : i32 to vector<512x512xi32>
    %add3A_225 = arith.addi %iota3A_222, %add3A_224 : vector<512x512xi32>
    %eq3A_226 = vector.broadcast %broadcast_in_dim3A_221 : vector<1x512xf32> to vector<512x512xf32>
    %eq3A_227 = arith.cmpf oeq, %sub3A_218, %eq3A_226 : vector<512x512xf32>
    %jit3A_228 = arith.constant 8192 : i32
    %broadcast_in_dim3A_229 = vector.broadcast %jit3A_228 : i32 to vector<512x512xi32>
    %select_n3A_230 = arith.select %eq3A_227, %add3A_225, %broadcast_in_dim3A_229 : vector<512x512xi1>, vector<512x512xi32>
    %reduce_min3A_231 = arith.constant dense<2147483647> : vector<512xi32>
    %reduce_min3A_232 = vector.multi_reduction <minsi>, %select_n3A_230, %reduce_min3A_231 [0] : vector<512x512xi32> to vector<512xi32>
    %broadcast_in_dim3A_233 = vector.shape_cast %reduce_min3A_232 : vector<512xi32> to vector<1x512xi32>
    %lt3A_234 = arith.cmpf olt, %broadcast_in_dim3A_221, %select_n3A_202 : vector<1x512xf32>
    %select_n3A_235 = arith.select %lt3A_234, %broadcast_in_dim3A_221, %select_n3A_202 : vector<1x512xi1>, vector<1x512xf32>
    %select_n3A_236 = arith.select %lt3A_234, %broadcast_in_dim3A_233, %select_n3A_203 : vector<1x512xi1>, vector<1x512xi32>
    %get3A_237 = arith.constant 3584 : index
    %get3A_238 = arith.constant 0 : index
    %get3A_239 = vector.load %arg3[%get3A_237, %get3A_238] : memref<8192x256xbf16, #tpu.memory_space<vmem>>, vector<512x256xbf16>
    %dot_general3A_240 = arith.constant dense<0.000000e+00> : vector<512x512xf32>
    %dot_general3A_241 = tpu.matmul %get3A_239, %convert_element_type3A_5, %dot_general3A_240 {dimension_numbers = #tpu.dot_dimension_numbers<[1], [0], [0], [1], [0, 0, 1, 1], [], []>, transpose_lhs_hint = false} : vector<512x256xbf16>, vector<256x512xbf16>, vector<512x512xf32> -> vector<512x512xf32>
    %get3A_242 = arith.constant 3584 : index
    %get3A_243 = arith.constant 0 : index
    %get3A_244 = vector.load %arg6[%get3A_242, %get3A_243] : memref<8192x1xf32, #tpu.memory_space<vmem>>, vector<512x1xf32>
    %add3A_245 = vector.broadcast %broadcast_in_dim3A : vector<1x512xf32> to vector<512x512xf32>
    %add3A_246 = vector.broadcast %get3A_244 : vector<512x1xf32> to vector<512x512xf32>
    %add3A_247 = arith.addf %add3A_245, %add3A_246 : vector<512x512xf32>
    %mul3A_248 = arith.constant 2.000000e+00 : f32
    %mul3A_249 = vector.broadcast %mul3A_248 : f32 to vector<512x512xf32>
    %mul3A_250 = arith.mulf %mul3A_249, %dot_general3A_241 : vector<512x512xf32>
    %sub3A_251 = arith.subf %add3A_247, %mul3A_250 : vector<512x512xf32>
    %reduce_min3A_252 = arith.constant dense<0x7F800000> : vector<512xf32>
    %reduce_min3A_253 = vector.multi_reduction <minimumf>, %sub3A_251, %reduce_min3A_252 [0] : vector<512x512xf32> to vector<512xf32>
    %broadcast_in_dim3A_254 = vector.shape_cast %reduce_min3A_253 : vector<512xf32> to vector<1x512xf32>
    %iota3A_255 = tpu.iota {dimensions = array<i32: 0>} : vector<512x512xi32>
    %add3A_256 = arith.constant 3584 : i32
    %add3A_257 = vector.broadcast %add3A_256 : i32 to vector<512x512xi32>
    %add3A_258 = arith.addi %iota3A_255, %add3A_257 : vector<512x512xi32>
    %eq3A_259 = vector.broadcast %broadcast_in_dim3A_254 : vector<1x512xf32> to vector<512x512xf32>
    %eq3A_260 = arith.cmpf oeq, %sub3A_251, %eq3A_259 : vector<512x512xf32>
    %jit3A_261 = arith.constant 8192 : i32
    %broadcast_in_dim3A_262 = vector.broadcast %jit3A_261 : i32 to vector<512x512xi32>
    %select_n3A_263 = arith.select %eq3A_260, %add3A_258, %broadcast_in_dim3A_262 : vector<512x512xi1>, vector<512x512xi32>
    %reduce_min3A_264 = arith.constant dense<2147483647> : vector<512xi32>
    %reduce_min3A_265 = vector.multi_reduction <minsi>, %select_n3A_263, %reduce_min3A_264 [0] : vector<512x512xi32> to vector<512xi32>
    %broadcast_in_dim3A_266 = vector.shape_cast %reduce_min3A_265 : vector<512xi32> to vector<1x512xi32>
    %lt3A_267 = arith.cmpf olt, %broadcast_in_dim3A_254, %select_n3A_235 : vector<1x512xf32>
    %select_n3A_268 = arith.select %lt3A_267, %broadcast_in_dim3A_254, %select_n3A_235 : vector<1x512xi1>, vector<1x512xf32>
    %select_n3A_269 = arith.select %lt3A_267, %broadcast_in_dim3A_266, %select_n3A_236 : vector<1x512xi1>, vector<1x512xi32>
    %broadcast_in_dim3A_270 = arith.constant 0x7F800000 : f32
    %broadcast_in_dim3A_271 = vector.broadcast %broadcast_in_dim3A_270 : f32 to vector<1x512xf32>
    %broadcast_in_dim3A_272 = arith.constant 0 : i32
    %broadcast_in_dim3A_273 = vector.broadcast %broadcast_in_dim3A_272 : i32 to vector<1x512xi32>
    %get3A_274 = arith.constant 4096 : index
    %get3A_275 = arith.constant 0 : index
    %get3A_276 = vector.load %arg3[%get3A_274, %get3A_275] : memref<8192x256xbf16, #tpu.memory_space<vmem>>, vector<512x256xbf16>
    %dot_general3A_277 = arith.constant dense<0.000000e+00> : vector<512x512xf32>
    %dot_general3A_278 = tpu.matmul %get3A_276, %convert_element_type3A_5, %dot_general3A_277 {dimension_numbers = #tpu.dot_dimension_numbers<[1], [0], [0], [1], [0, 0, 1, 1], [], []>, transpose_lhs_hint = false} : vector<512x256xbf16>, vector<256x512xbf16>, vector<512x512xf32> -> vector<512x512xf32>
    %get3A_279 = arith.constant 4096 : index
    %get3A_280 = arith.constant 0 : index
    %get3A_281 = vector.load %arg6[%get3A_279, %get3A_280] : memref<8192x1xf32, #tpu.memory_space<vmem>>, vector<512x1xf32>
    %add3A_282 = vector.broadcast %broadcast_in_dim3A : vector<1x512xf32> to vector<512x512xf32>
    %add3A_283 = vector.broadcast %get3A_281 : vector<512x1xf32> to vector<512x512xf32>
    %add3A_284 = arith.addf %add3A_282, %add3A_283 : vector<512x512xf32>
    %mul3A_285 = arith.constant 2.000000e+00 : f32
    %mul3A_286 = vector.broadcast %mul3A_285 : f32 to vector<512x512xf32>
    %mul3A_287 = arith.mulf %mul3A_286, %dot_general3A_278 : vector<512x512xf32>
    %sub3A_288 = arith.subf %add3A_284, %mul3A_287 : vector<512x512xf32>
    %reduce_min3A_289 = arith.constant dense<0x7F800000> : vector<512xf32>
    %reduce_min3A_290 = vector.multi_reduction <minimumf>, %sub3A_288, %reduce_min3A_289 [0] : vector<512x512xf32> to vector<512xf32>
    %broadcast_in_dim3A_291 = vector.shape_cast %reduce_min3A_290 : vector<512xf32> to vector<1x512xf32>
    %iota3A_292 = tpu.iota {dimensions = array<i32: 0>} : vector<512x512xi32>
    %add3A_293 = arith.constant 4096 : i32
    %add3A_294 = vector.broadcast %add3A_293 : i32 to vector<512x512xi32>
    %add3A_295 = arith.addi %iota3A_292, %add3A_294 : vector<512x512xi32>
    %eq3A_296 = vector.broadcast %broadcast_in_dim3A_291 : vector<1x512xf32> to vector<512x512xf32>
    %eq3A_297 = arith.cmpf oeq, %sub3A_288, %eq3A_296 : vector<512x512xf32>
    %jit3A_298 = arith.constant 8192 : i32
    %broadcast_in_dim3A_299 = vector.broadcast %jit3A_298 : i32 to vector<512x512xi32>
    %select_n3A_300 = arith.select %eq3A_297, %add3A_295, %broadcast_in_dim3A_299 : vector<512x512xi1>, vector<512x512xi32>
    %reduce_min3A_301 = arith.constant dense<2147483647> : vector<512xi32>
    %reduce_min3A_302 = vector.multi_reduction <minsi>, %select_n3A_300, %reduce_min3A_301 [0] : vector<512x512xi32> to vector<512xi32>
    %broadcast_in_dim3A_303 = vector.shape_cast %reduce_min3A_302 : vector<512xi32> to vector<1x512xi32>
    %lt3A_304 = arith.cmpf olt, %broadcast_in_dim3A_291, %broadcast_in_dim3A_271 : vector<1x512xf32>
    %select_n3A_305 = arith.select %lt3A_304, %broadcast_in_dim3A_291, %broadcast_in_dim3A_271 : vector<1x512xi1>, vector<1x512xf32>
    %select_n3A_306 = arith.select %lt3A_304, %broadcast_in_dim3A_303, %broadcast_in_dim3A_273 : vector<1x512xi1>, vector<1x512xi32>
    %get3A_307 = arith.constant 4608 : index
    %get3A_308 = arith.constant 0 : index
    %get3A_309 = vector.load %arg3[%get3A_307, %get3A_308] : memref<8192x256xbf16, #tpu.memory_space<vmem>>, vector<512x256xbf16>
    %dot_general3A_310 = arith.constant dense<0.000000e+00> : vector<512x512xf32>
    %dot_general3A_311 = tpu.matmul %get3A_309, %convert_element_type3A_5, %dot_general3A_310 {dimension_numbers = #tpu.dot_dimension_numbers<[1], [0], [0], [1], [0, 0, 1, 1], [], []>, transpose_lhs_hint = false} : vector<512x256xbf16>, vector<256x512xbf16>, vector<512x512xf32> -> vector<512x512xf32>
    %get3A_312 = arith.constant 4608 : index
    %get3A_313 = arith.constant 0 : index
    %get3A_314 = vector.load %arg6[%get3A_312, %get3A_313] : memref<8192x1xf32, #tpu.memory_space<vmem>>, vector<512x1xf32>
    %add3A_315 = vector.broadcast %broadcast_in_dim3A : vector<1x512xf32> to vector<512x512xf32>
    %add3A_316 = vector.broadcast %get3A_314 : vector<512x1xf32> to vector<512x512xf32>
    %add3A_317 = arith.addf %add3A_315, %add3A_316 : vector<512x512xf32>
    %mul3A_318 = arith.constant 2.000000e+00 : f32
    %mul3A_319 = vector.broadcast %mul3A_318 : f32 to vector<512x512xf32>
    %mul3A_320 = arith.mulf %mul3A_319, %dot_general3A_311 : vector<512x512xf32>
    %sub3A_321 = arith.subf %add3A_317, %mul3A_320 : vector<512x512xf32>
    %reduce_min3A_322 = arith.constant dense<0x7F800000> : vector<512xf32>
    %reduce_min3A_323 = vector.multi_reduction <minimumf>, %sub3A_321, %reduce_min3A_322 [0] : vector<512x512xf32> to vector<512xf32>
    %broadcast_in_dim3A_324 = vector.shape_cast %reduce_min3A_323 : vector<512xf32> to vector<1x512xf32>
    %iota3A_325 = tpu.iota {dimensions = array<i32: 0>} : vector<512x512xi32>
    %add3A_326 = arith.constant 4608 : i32
    %add3A_327 = vector.broadcast %add3A_326 : i32 to vector<512x512xi32>
    %add3A_328 = arith.addi %iota3A_325, %add3A_327 : vector<512x512xi32>
    %eq3A_329 = vector.broadcast %broadcast_in_dim3A_324 : vector<1x512xf32> to vector<512x512xf32>
    %eq3A_330 = arith.cmpf oeq, %sub3A_321, %eq3A_329 : vector<512x512xf32>
    %jit3A_331 = arith.constant 8192 : i32
    %broadcast_in_dim3A_332 = vector.broadcast %jit3A_331 : i32 to vector<512x512xi32>
    %select_n3A_333 = arith.select %eq3A_330, %add3A_328, %broadcast_in_dim3A_332 : vector<512x512xi1>, vector<512x512xi32>
    %reduce_min3A_334 = arith.constant dense<2147483647> : vector<512xi32>
    %reduce_min3A_335 = vector.multi_reduction <minsi>, %select_n3A_333, %reduce_min3A_334 [0] : vector<512x512xi32> to vector<512xi32>
    %broadcast_in_dim3A_336 = vector.shape_cast %reduce_min3A_335 : vector<512xi32> to vector<1x512xi32>
    %lt3A_337 = arith.cmpf olt, %broadcast_in_dim3A_324, %select_n3A_305 : vector<1x512xf32>
    %select_n3A_338 = arith.select %lt3A_337, %broadcast_in_dim3A_324, %select_n3A_305 : vector<1x512xi1>, vector<1x512xf32>
    %select_n3A_339 = arith.select %lt3A_337, %broadcast_in_dim3A_336, %select_n3A_306 : vector<1x512xi1>, vector<1x512xi32>
    %get3A_340 = arith.constant 5120 : index
    %get3A_341 = arith.constant 0 : index
    %get3A_342 = vector.load %arg3[%get3A_340, %get3A_341] : memref<8192x256xbf16, #tpu.memory_space<vmem>>, vector<512x256xbf16>
    %dot_general3A_343 = arith.constant dense<0.000000e+00> : vector<512x512xf32>
    %dot_general3A_344 = tpu.matmul %get3A_342, %convert_element_type3A_5, %dot_general3A_343 {dimension_numbers = #tpu.dot_dimension_numbers<[1], [0], [0], [1], [0, 0, 1, 1], [], []>, transpose_lhs_hint = false} : vector<512x256xbf16>, vector<256x512xbf16>, vector<512x512xf32> -> vector<512x512xf32>
    %get3A_345 = arith.constant 5120 : index
    %get3A_346 = arith.constant 0 : index
    %get3A_347 = vector.load %arg6[%get3A_345, %get3A_346] : memref<8192x1xf32, #tpu.memory_space<vmem>>, vector<512x1xf32>
    %add3A_348 = vector.broadcast %broadcast_in_dim3A : vector<1x512xf32> to vector<512x512xf32>
    %add3A_349 = vector.broadcast %get3A_347 : vector<512x1xf32> to vector<512x512xf32>
    %add3A_350 = arith.addf %add3A_348, %add3A_349 : vector<512x512xf32>
    %mul3A_351 = arith.constant 2.000000e+00 : f32
    %mul3A_352 = vector.broadcast %mul3A_351 : f32 to vector<512x512xf32>
    %mul3A_353 = arith.mulf %mul3A_352, %dot_general3A_344 : vector<512x512xf32>
    %sub3A_354 = arith.subf %add3A_350, %mul3A_353 : vector<512x512xf32>
    %reduce_min3A_355 = arith.constant dense<0x7F800000> : vector<512xf32>
    %reduce_min3A_356 = vector.multi_reduction <minimumf>, %sub3A_354, %reduce_min3A_355 [0] : vector<512x512xf32> to vector<512xf32>
    %broadcast_in_dim3A_357 = vector.shape_cast %reduce_min3A_356 : vector<512xf32> to vector<1x512xf32>
    %iota3A_358 = tpu.iota {dimensions = array<i32: 0>} : vector<512x512xi32>
    %add3A_359 = arith.constant 5120 : i32
    %add3A_360 = vector.broadcast %add3A_359 : i32 to vector<512x512xi32>
    %add3A_361 = arith.addi %iota3A_358, %add3A_360 : vector<512x512xi32>
    %eq3A_362 = vector.broadcast %broadcast_in_dim3A_357 : vector<1x512xf32> to vector<512x512xf32>
    %eq3A_363 = arith.cmpf oeq, %sub3A_354, %eq3A_362 : vector<512x512xf32>
    %jit3A_364 = arith.constant 8192 : i32
    %broadcast_in_dim3A_365 = vector.broadcast %jit3A_364 : i32 to vector<512x512xi32>
    %select_n3A_366 = arith.select %eq3A_363, %add3A_361, %broadcast_in_dim3A_365 : vector<512x512xi1>, vector<512x512xi32>
    %reduce_min3A_367 = arith.constant dense<2147483647> : vector<512xi32>
    %reduce_min3A_368 = vector.multi_reduction <minsi>, %select_n3A_366, %reduce_min3A_367 [0] : vector<512x512xi32> to vector<512xi32>
    %broadcast_in_dim3A_369 = vector.shape_cast %reduce_min3A_368 : vector<512xi32> to vector<1x512xi32>
    %lt3A_370 = arith.cmpf olt, %broadcast_in_dim3A_357, %select_n3A_338 : vector<1x512xf32>
    %select_n3A_371 = arith.select %lt3A_370, %broadcast_in_dim3A_357, %select_n3A_338 : vector<1x512xi1>, vector<1x512xf32>
    %select_n3A_372 = arith.select %lt3A_370, %broadcast_in_dim3A_369, %select_n3A_339 : vector<1x512xi1>, vector<1x512xi32>
    %get3A_373 = arith.constant 5632 : index
    %get3A_374 = arith.constant 0 : index
    %get3A_375 = vector.load %arg3[%get3A_373, %get3A_374] : memref<8192x256xbf16, #tpu.memory_space<vmem>>, vector<512x256xbf16>
    %dot_general3A_376 = arith.constant dense<0.000000e+00> : vector<512x512xf32>
    %dot_general3A_377 = tpu.matmul %get3A_375, %convert_element_type3A_5, %dot_general3A_376 {dimension_numbers = #tpu.dot_dimension_numbers<[1], [0], [0], [1], [0, 0, 1, 1], [], []>, transpose_lhs_hint = false} : vector<512x256xbf16>, vector<256x512xbf16>, vector<512x512xf32> -> vector<512x512xf32>
    %get3A_378 = arith.constant 5632 : index
    %get3A_379 = arith.constant 0 : index
    %get3A_380 = vector.load %arg6[%get3A_378, %get3A_379] : memref<8192x1xf32, #tpu.memory_space<vmem>>, vector<512x1xf32>
    %add3A_381 = vector.broadcast %broadcast_in_dim3A : vector<1x512xf32> to vector<512x512xf32>
    %add3A_382 = vector.broadcast %get3A_380 : vector<512x1xf32> to vector<512x512xf32>
    %add3A_383 = arith.addf %add3A_381, %add3A_382 : vector<512x512xf32>
    %mul3A_384 = arith.constant 2.000000e+00 : f32
    %mul3A_385 = vector.broadcast %mul3A_384 : f32 to vector<512x512xf32>
    %mul3A_386 = arith.mulf %mul3A_385, %dot_general3A_377 : vector<512x512xf32>
    %sub3A_387 = arith.subf %add3A_383, %mul3A_386 : vector<512x512xf32>
    %reduce_min3A_388 = arith.constant dense<0x7F800000> : vector<512xf32>
    %reduce_min3A_389 = vector.multi_reduction <minimumf>, %sub3A_387, %reduce_min3A_388 [0] : vector<512x512xf32> to vector<512xf32>
    %broadcast_in_dim3A_390 = vector.shape_cast %reduce_min3A_389 : vector<512xf32> to vector<1x512xf32>
    %iota3A_391 = tpu.iota {dimensions = array<i32: 0>} : vector<512x512xi32>
    %add3A_392 = arith.constant 5632 : i32
    %add3A_393 = vector.broadcast %add3A_392 : i32 to vector<512x512xi32>
    %add3A_394 = arith.addi %iota3A_391, %add3A_393 : vector<512x512xi32>
    %eq3A_395 = vector.broadcast %broadcast_in_dim3A_390 : vector<1x512xf32> to vector<512x512xf32>
    %eq3A_396 = arith.cmpf oeq, %sub3A_387, %eq3A_395 : vector<512x512xf32>
    %jit3A_397 = arith.constant 8192 : i32
    %broadcast_in_dim3A_398 = vector.broadcast %jit3A_397 : i32 to vector<512x512xi32>
    %select_n3A_399 = arith.select %eq3A_396, %add3A_394, %broadcast_in_dim3A_398 : vector<512x512xi1>, vector<512x512xi32>
    %reduce_min3A_400 = arith.constant dense<2147483647> : vector<512xi32>
    %reduce_min3A_401 = vector.multi_reduction <minsi>, %select_n3A_399, %reduce_min3A_400 [0] : vector<512x512xi32> to vector<512xi32>
    %broadcast_in_dim3A_402 = vector.shape_cast %reduce_min3A_401 : vector<512xi32> to vector<1x512xi32>
    %lt3A_403 = arith.cmpf olt, %broadcast_in_dim3A_390, %select_n3A_371 : vector<1x512xf32>
    %select_n3A_404 = arith.select %lt3A_403, %broadcast_in_dim3A_390, %select_n3A_371 : vector<1x512xi1>, vector<1x512xf32>
    %select_n3A_405 = arith.select %lt3A_403, %broadcast_in_dim3A_402, %select_n3A_372 : vector<1x512xi1>, vector<1x512xi32>
    %broadcast_in_dim3A_406 = arith.constant 0x7F800000 : f32
    %broadcast_in_dim3A_407 = vector.broadcast %broadcast_in_dim3A_406 : f32 to vector<1x512xf32>
    %broadcast_in_dim3A_408 = arith.constant 0 : i32
    %broadcast_in_dim3A_409 = vector.broadcast %broadcast_in_dim3A_408 : i32 to vector<1x512xi32>
    %get3A_410 = arith.constant 6144 : index
    %get3A_411 = arith.constant 0 : index
    %get3A_412 = vector.load %arg3[%get3A_410, %get3A_411] : memref<8192x256xbf16, #tpu.memory_space<vmem>>, vector<512x256xbf16>
    %dot_general3A_413 = arith.constant dense<0.000000e+00> : vector<512x512xf32>
    %dot_general3A_414 = tpu.matmul %get3A_412, %convert_element_type3A_5, %dot_general3A_413 {dimension_numbers = #tpu.dot_dimension_numbers<[1], [0], [0], [1], [0, 0, 1, 1], [], []>, transpose_lhs_hint = false} : vector<512x256xbf16>, vector<256x512xbf16>, vector<512x512xf32> -> vector<512x512xf32>
    %get3A_415 = arith.constant 6144 : index
    %get3A_416 = arith.constant 0 : index
    %get3A_417 = vector.load %arg6[%get3A_415, %get3A_416] : memref<8192x1xf32, #tpu.memory_space<vmem>>, vector<512x1xf32>
    %add3A_418 = vector.broadcast %broadcast_in_dim3A : vector<1x512xf32> to vector<512x512xf32>
    %add3A_419 = vector.broadcast %get3A_417 : vector<512x1xf32> to vector<512x512xf32>
    %add3A_420 = arith.addf %add3A_418, %add3A_419 : vector<512x512xf32>
    %mul3A_421 = arith.constant 2.000000e+00 : f32
    %mul3A_422 = vector.broadcast %mul3A_421 : f32 to vector<512x512xf32>
    %mul3A_423 = arith.mulf %mul3A_422, %dot_general3A_414 : vector<512x512xf32>
    %sub3A_424 = arith.subf %add3A_420, %mul3A_423 : vector<512x512xf32>
    %reduce_min3A_425 = arith.constant dense<0x7F800000> : vector<512xf32>
    %reduce_min3A_426 = vector.multi_reduction <minimumf>, %sub3A_424, %reduce_min3A_425 [0] : vector<512x512xf32> to vector<512xf32>
    %broadcast_in_dim3A_427 = vector.shape_cast %reduce_min3A_426 : vector<512xf32> to vector<1x512xf32>
    %iota3A_428 = tpu.iota {dimensions = array<i32: 0>} : vector<512x512xi32>
    %add3A_429 = arith.constant 6144 : i32
    %add3A_430 = vector.broadcast %add3A_429 : i32 to vector<512x512xi32>
    %add3A_431 = arith.addi %iota3A_428, %add3A_430 : vector<512x512xi32>
    %eq3A_432 = vector.broadcast %broadcast_in_dim3A_427 : vector<1x512xf32> to vector<512x512xf32>
    %eq3A_433 = arith.cmpf oeq, %sub3A_424, %eq3A_432 : vector<512x512xf32>
    %jit3A_434 = arith.constant 8192 : i32
    %broadcast_in_dim3A_435 = vector.broadcast %jit3A_434 : i32 to vector<512x512xi32>
    %select_n3A_436 = arith.select %eq3A_433, %add3A_431, %broadcast_in_dim3A_435 : vector<512x512xi1>, vector<512x512xi32>
    %reduce_min3A_437 = arith.constant dense<2147483647> : vector<512xi32>
    %reduce_min3A_438 = vector.multi_reduction <minsi>, %select_n3A_436, %reduce_min3A_437 [0] : vector<512x512xi32> to vector<512xi32>
    %broadcast_in_dim3A_439 = vector.shape_cast %reduce_min3A_438 : vector<512xi32> to vector<1x512xi32>
    %lt3A_440 = arith.cmpf olt, %broadcast_in_dim3A_427, %broadcast_in_dim3A_407 : vector<1x512xf32>
    %select_n3A_441 = arith.select %lt3A_440, %broadcast_in_dim3A_427, %broadcast_in_dim3A_407 : vector<1x512xi1>, vector<1x512xf32>
    %select_n3A_442 = arith.select %lt3A_440, %broadcast_in_dim3A_439, %broadcast_in_dim3A_409 : vector<1x512xi1>, vector<1x512xi32>
    %get3A_443 = arith.constant 6656 : index
    %get3A_444 = arith.constant 0 : index
    %get3A_445 = vector.load %arg3[%get3A_443, %get3A_444] : memref<8192x256xbf16, #tpu.memory_space<vmem>>, vector<512x256xbf16>
    %dot_general3A_446 = arith.constant dense<0.000000e+00> : vector<512x512xf32>
    %dot_general3A_447 = tpu.matmul %get3A_445, %convert_element_type3A_5, %dot_general3A_446 {dimension_numbers = #tpu.dot_dimension_numbers<[1], [0], [0], [1], [0, 0, 1, 1], [], []>, transpose_lhs_hint = false} : vector<512x256xbf16>, vector<256x512xbf16>, vector<512x512xf32> -> vector<512x512xf32>
    %get3A_448 = arith.constant 6656 : index
    %get3A_449 = arith.constant 0 : index
    %get3A_450 = vector.load %arg6[%get3A_448, %get3A_449] : memref<8192x1xf32, #tpu.memory_space<vmem>>, vector<512x1xf32>
    %add3A_451 = vector.broadcast %broadcast_in_dim3A : vector<1x512xf32> to vector<512x512xf32>
    %add3A_452 = vector.broadcast %get3A_450 : vector<512x1xf32> to vector<512x512xf32>
    %add3A_453 = arith.addf %add3A_451, %add3A_452 : vector<512x512xf32>
    %mul3A_454 = arith.constant 2.000000e+00 : f32
    %mul3A_455 = vector.broadcast %mul3A_454 : f32 to vector<512x512xf32>
    %mul3A_456 = arith.mulf %mul3A_455, %dot_general3A_447 : vector<512x512xf32>
    %sub3A_457 = arith.subf %add3A_453, %mul3A_456 : vector<512x512xf32>
    %reduce_min3A_458 = arith.constant dense<0x7F800000> : vector<512xf32>
    %reduce_min3A_459 = vector.multi_reduction <minimumf>, %sub3A_457, %reduce_min3A_458 [0] : vector<512x512xf32> to vector<512xf32>
    %broadcast_in_dim3A_460 = vector.shape_cast %reduce_min3A_459 : vector<512xf32> to vector<1x512xf32>
    %iota3A_461 = tpu.iota {dimensions = array<i32: 0>} : vector<512x512xi32>
    %add3A_462 = arith.constant 6656 : i32
    %add3A_463 = vector.broadcast %add3A_462 : i32 to vector<512x512xi32>
    %add3A_464 = arith.addi %iota3A_461, %add3A_463 : vector<512x512xi32>
    %eq3A_465 = vector.broadcast %broadcast_in_dim3A_460 : vector<1x512xf32> to vector<512x512xf32>
    %eq3A_466 = arith.cmpf oeq, %sub3A_457, %eq3A_465 : vector<512x512xf32>
    %jit3A_467 = arith.constant 8192 : i32
    %broadcast_in_dim3A_468 = vector.broadcast %jit3A_467 : i32 to vector<512x512xi32>
    %select_n3A_469 = arith.select %eq3A_466, %add3A_464, %broadcast_in_dim3A_468 : vector<512x512xi1>, vector<512x512xi32>
    %reduce_min3A_470 = arith.constant dense<2147483647> : vector<512xi32>
    %reduce_min3A_471 = vector.multi_reduction <minsi>, %select_n3A_469, %reduce_min3A_470 [0] : vector<512x512xi32> to vector<512xi32>
    %broadcast_in_dim3A_472 = vector.shape_cast %reduce_min3A_471 : vector<512xi32> to vector<1x512xi32>
    %lt3A_473 = arith.cmpf olt, %broadcast_in_dim3A_460, %select_n3A_441 : vector<1x512xf32>
    %select_n3A_474 = arith.select %lt3A_473, %broadcast_in_dim3A_460, %select_n3A_441 : vector<1x512xi1>, vector<1x512xf32>
    %select_n3A_475 = arith.select %lt3A_473, %broadcast_in_dim3A_472, %select_n3A_442 : vector<1x512xi1>, vector<1x512xi32>
    %get3A_476 = arith.constant 7168 : index
    %get3A_477 = arith.constant 0 : index
    %get3A_478 = vector.load %arg3[%get3A_476, %get3A_477] : memref<8192x256xbf16, #tpu.memory_space<vmem>>, vector<512x256xbf16>
    %dot_general3A_479 = arith.constant dense<0.000000e+00> : vector<512x512xf32>
    %dot_general3A_480 = tpu.matmul %get3A_478, %convert_element_type3A_5, %dot_general3A_479 {dimension_numbers = #tpu.dot_dimension_numbers<[1], [0], [0], [1], [0, 0, 1, 1], [], []>, transpose_lhs_hint = false} : vector<512x256xbf16>, vector<256x512xbf16>, vector<512x512xf32> -> vector<512x512xf32>
    %get3A_481 = arith.constant 7168 : index
    %get3A_482 = arith.constant 0 : index
    %get3A_483 = vector.load %arg6[%get3A_481, %get3A_482] : memref<8192x1xf32, #tpu.memory_space<vmem>>, vector<512x1xf32>
    %add3A_484 = vector.broadcast %broadcast_in_dim3A : vector<1x512xf32> to vector<512x512xf32>
    %add3A_485 = vector.broadcast %get3A_483 : vector<512x1xf32> to vector<512x512xf32>
    %add3A_486 = arith.addf %add3A_484, %add3A_485 : vector<512x512xf32>
    %mul3A_487 = arith.constant 2.000000e+00 : f32
    %mul3A_488 = vector.broadcast %mul3A_487 : f32 to vector<512x512xf32>
    %mul3A_489 = arith.mulf %mul3A_488, %dot_general3A_480 : vector<512x512xf32>
    %sub3A_490 = arith.subf %add3A_486, %mul3A_489 : vector<512x512xf32>
    %reduce_min3A_491 = arith.constant dense<0x7F800000> : vector<512xf32>
    %reduce_min3A_492 = vector.multi_reduction <minimumf>, %sub3A_490, %reduce_min3A_491 [0] : vector<512x512xf32> to vector<512xf32>
    %broadcast_in_dim3A_493 = vector.shape_cast %reduce_min3A_492 : vector<512xf32> to vector<1x512xf32>
    %iota3A_494 = tpu.iota {dimensions = array<i32: 0>} : vector<512x512xi32>
    %add3A_495 = arith.constant 7168 : i32
    %add3A_496 = vector.broadcast %add3A_495 : i32 to vector<512x512xi32>
    %add3A_497 = arith.addi %iota3A_494, %add3A_496 : vector<512x512xi32>
    %eq3A_498 = vector.broadcast %broadcast_in_dim3A_493 : vector<1x512xf32> to vector<512x512xf32>
    %eq3A_499 = arith.cmpf oeq, %sub3A_490, %eq3A_498 : vector<512x512xf32>
    %jit3A_500 = arith.constant 8192 : i32
    %broadcast_in_dim3A_501 = vector.broadcast %jit3A_500 : i32 to vector<512x512xi32>
    %select_n3A_502 = arith.select %eq3A_499, %add3A_497, %broadcast_in_dim3A_501 : vector<512x512xi1>, vector<512x512xi32>
    %reduce_min3A_503 = arith.constant dense<2147483647> : vector<512xi32>
    %reduce_min3A_504 = vector.multi_reduction <minsi>, %select_n3A_502, %reduce_min3A_503 [0] : vector<512x512xi32> to vector<512xi32>
    %broadcast_in_dim3A_505 = vector.shape_cast %reduce_min3A_504 : vector<512xi32> to vector<1x512xi32>
    %lt3A_506 = arith.cmpf olt, %broadcast_in_dim3A_493, %select_n3A_474 : vector<1x512xf32>
    %select_n3A_507 = arith.select %lt3A_506, %broadcast_in_dim3A_493, %select_n3A_474 : vector<1x512xi1>, vector<1x512xf32>
    %select_n3A_508 = arith.select %lt3A_506, %broadcast_in_dim3A_505, %select_n3A_475 : vector<1x512xi1>, vector<1x512xi32>
    %get3A_509 = arith.constant 7680 : index
    %get3A_510 = arith.constant 0 : index
    %get3A_511 = vector.load %arg3[%get3A_509, %get3A_510] : memref<8192x256xbf16, #tpu.memory_space<vmem>>, vector<512x256xbf16>
    %dot_general3A_512 = arith.constant dense<0.000000e+00> : vector<512x512xf32>
    %dot_general3A_513 = tpu.matmul %get3A_511, %convert_element_type3A_5, %dot_general3A_512 {dimension_numbers = #tpu.dot_dimension_numbers<[1], [0], [0], [1], [0, 0, 1, 1], [], []>, transpose_lhs_hint = false} : vector<512x256xbf16>, vector<256x512xbf16>, vector<512x512xf32> -> vector<512x512xf32>
    %get3A_514 = arith.constant 7680 : index
    %get3A_515 = arith.constant 0 : index
    %get3A_516 = vector.load %arg6[%get3A_514, %get3A_515] : memref<8192x1xf32, #tpu.memory_space<vmem>>, vector<512x1xf32>
    %add3A_517 = vector.broadcast %broadcast_in_dim3A : vector<1x512xf32> to vector<512x512xf32>
    %add3A_518 = vector.broadcast %get3A_516 : vector<512x1xf32> to vector<512x512xf32>
    %add3A_519 = arith.addf %add3A_517, %add3A_518 : vector<512x512xf32>
    %mul3A_520 = arith.constant 2.000000e+00 : f32
    %mul3A_521 = vector.broadcast %mul3A_520 : f32 to vector<512x512xf32>
    %mul3A_522 = arith.mulf %mul3A_521, %dot_general3A_513 : vector<512x512xf32>
    %sub3A_523 = arith.subf %add3A_519, %mul3A_522 : vector<512x512xf32>
    %reduce_min3A_524 = arith.constant dense<0x7F800000> : vector<512xf32>
    %reduce_min3A_525 = vector.multi_reduction <minimumf>, %sub3A_523, %reduce_min3A_524 [0] : vector<512x512xf32> to vector<512xf32>
    %broadcast_in_dim3A_526 = vector.shape_cast %reduce_min3A_525 : vector<512xf32> to vector<1x512xf32>
    %iota3A_527 = tpu.iota {dimensions = array<i32: 0>} : vector<512x512xi32>
    %add3A_528 = arith.constant 7680 : i32
    %add3A_529 = vector.broadcast %add3A_528 : i32 to vector<512x512xi32>
    %add3A_530 = arith.addi %iota3A_527, %add3A_529 : vector<512x512xi32>
    %eq3A_531 = vector.broadcast %broadcast_in_dim3A_526 : vector<1x512xf32> to vector<512x512xf32>
    %eq3A_532 = arith.cmpf oeq, %sub3A_523, %eq3A_531 : vector<512x512xf32>
    %jit3A_533 = arith.constant 8192 : i32
    %broadcast_in_dim3A_534 = vector.broadcast %jit3A_533 : i32 to vector<512x512xi32>
    %select_n3A_535 = arith.select %eq3A_532, %add3A_530, %broadcast_in_dim3A_534 : vector<512x512xi1>, vector<512x512xi32>
    %reduce_min3A_536 = arith.constant dense<2147483647> : vector<512xi32>
    %reduce_min3A_537 = vector.multi_reduction <minsi>, %select_n3A_535, %reduce_min3A_536 [0] : vector<512x512xi32> to vector<512xi32>
    %broadcast_in_dim3A_538 = vector.shape_cast %reduce_min3A_537 : vector<512xi32> to vector<1x512xi32>
    %lt3A_539 = arith.cmpf olt, %broadcast_in_dim3A_526, %select_n3A_507 : vector<1x512xf32>
    %select_n3A_540 = arith.select %lt3A_539, %broadcast_in_dim3A_526, %select_n3A_507 : vector<1x512xi1>, vector<1x512xf32>
    %select_n3A_541 = arith.select %lt3A_539, %broadcast_in_dim3A_538, %select_n3A_508 : vector<1x512xi1>, vector<1x512xi32>
    %convert_element_type3A_542 = arith.truncf %select_n3A_268 : vector<1x512xf32> to vector<1x512xbf16>
    %convert_element_type3A_543 = arith.extf %convert_element_type3A_542 : vector<1x512xbf16> to vector<1x512xf32>
    %convert_element_type3A_544 = arith.truncf %select_n3A_132 : vector<1x512xf32> to vector<1x512xbf16>
    %convert_element_type3A_545 = arith.extf %convert_element_type3A_544 : vector<1x512xbf16> to vector<1x512xf32>
    %lt3A_546 = arith.cmpf olt, %convert_element_type3A_543, %convert_element_type3A_545 : vector<1x512xf32>
    %select_n3A_547 = arith.select %lt3A_546, %select_n3A_268, %select_n3A_132 : vector<1x512xi1>, vector<1x512xf32>
    %select_n3A_548 = arith.select %lt3A_546, %select_n3A_269, %select_n3A_133 : vector<1x512xi1>, vector<1x512xi32>
    %convert_element_type3A_549 = arith.truncf %select_n3A_404 : vector<1x512xf32> to vector<1x512xbf16>
    %convert_element_type3A_550 = arith.extf %convert_element_type3A_549 : vector<1x512xbf16> to vector<1x512xf32>
    %convert_element_type3A_551 = arith.truncf %select_n3A_547 : vector<1x512xf32> to vector<1x512xbf16>
    %convert_element_type3A_552 = arith.extf %convert_element_type3A_551 : vector<1x512xbf16> to vector<1x512xf32>
    %lt3A_553 = arith.cmpf olt, %convert_element_type3A_550, %convert_element_type3A_552 : vector<1x512xf32>
    %select_n3A_554 = arith.select %lt3A_553, %select_n3A_404, %select_n3A_547 : vector<1x512xi1>, vector<1x512xf32>
    %select_n3A_555 = arith.select %lt3A_553, %select_n3A_405, %select_n3A_548 : vector<1x512xi1>, vector<1x512xi32>
    %convert_element_type3A_556 = arith.truncf %select_n3A_554 : vector<1x512xf32> to vector<1x512xbf16>
    %convert_element_type3A_557 = arith.extf %convert_element_type3A_556 : vector<1x512xbf16> to vector<1x512xf32>
    %lt3A_558 = arith.cmpf olt, %select_n3A_540, %convert_element_type3A_557 : vector<1x512xf32>
    %select_n3A_559 = arith.select %lt3A_558, %select_n3A_540, %select_n3A_554 : vector<1x512xi1>, vector<1x512xf32>
    %select_n3A_560 = arith.select %lt3A_558, %select_n3A_541, %select_n3A_555 : vector<1x512xi1>, vector<1x512xi32>
    %broadcast_in_dim3A_561 = vector.shape_cast %select_n3A_560 : vector<1x512xi32> to vector<1x1x512xi32>
    %swap3A = arith.constant 0 : index
    %swap3A_562 = arith.constant 0 : index
    %swap3A_563 = arith.constant 0 : index
    %swap3A_564 = vector.load %arg4[%swap3A, %swap3A_562, %swap3A_563] : memref<1x1x512xi32, #tpu.memory_space<vmem>>, vector<1x1x512xi32>
    tpu.vector_store %arg4[%swap3A, %swap3A_562, %swap3A_563], %broadcast_in_dim3A_561 {strides = array<i32>} : memref<1x1x512xi32, #tpu.memory_space<vmem>>, vector<1x1x512xi32>,
    %get3A_565 = arith.constant 0 : index
    %get3A_566 = memref.load %arg7[%get3A_565] : memref<1xf32, #tpu.memory_space<smem>>
    %reduce_sum3A_567 = vector.shape_cast %select_n3A_559 : vector<1x512xf32> to vector<1x1x512xf32>
    %reduce_sum3A_568 = arith.constant dense<0.000000e+00> : vector<1xf32>
    %reduce_sum3A_569 = vector.multi_reduction <add>, %reduce_sum3A_567, %reduce_sum3A_568 [1, 2] : vector<1x1x512xf32> to vector<1xf32>
    %reduce_sum3A_570 = vector.shape_cast %reduce_sum3A_569 : vector<1xf32> to vector<1x1x1xf32>
    %reduce_sum3A_571 = vector.extract %reduce_sum3A_570[0, 0, 0] : f32 from vector<1x1x1xf32>
    %add3A_572 = arith.addf %get3A_566, %reduce_sum3A_571 : f32
    %swap3A_573 = arith.constant 0 : index
    %swap3A_574 = memref.load %arg7[%swap3A_573] : memref<1xf32, #tpu.memory_space<smem>>
    memref.store %add3A_572, %arg7[%swap3A_573] : memref<1xf32, #tpu.memory_space<smem>>
    %eq3A_575 = arith.constant 17 : i32
    %eq3A_576 = arith.cmpi eq, %arg0, %eq3A_575 : i32
    %convert_element_type3A_577 = arith.extui %eq3A_576 : i1 to i32
    %cond3A_578 = arith.constant 0 : i32
    %cond3A_579 = arith.cmpi ne, %convert_element_type3A_577, %cond3A_578 : i32
    scf.if %cond3A_579 {
      %get3A_580 = arith.constant 0 : index
      %get3A_581 = memref.load %arg7[%get3A_580] : memref<1xf32, #tpu.memory_space<smem>>
      %div3A = arith.constant 0x4A100000 : f32
      %div3A_582 = arith.divf %get3A_581, %div3A : f32
      %mul3A_583 = arith.constant 2.500000e-01 : f32
      %mul3A_584 = arith.mulf %mul3A_583, %div3A_582 : f32
      %swap3A_585 = arith.constant 0 : index
      %swap3A_586 = arith.constant 0 : index
      %swap3A_587 = memref.load %arg5[%swap3A_585, %swap3A_586] : memref<1x1xf32, #tpu.memory_space<smem>>
      memref.store %mul3A_584, %arg5[%swap3A_585, %swap3A_586] : memref<1x1xf32, #tpu.memory_space<smem>>
    } else {
    }
    return
  }
  func.func @transform_0(%arg0: i32) -> (i32, i32) {
    %c0_i32 = arith.constant 0 : i32
    %c0_i32_0 = arith.constant 0 : i32
    return %c0_i32, %arg0 : i32, i32
  }
  func.func @transform_1(%arg0: i32) -> (i32, i32) {
    %c0_i32 = arith.constant 0 : i32
    %c0_i32_0 = arith.constant 0 : i32
    %c0_i32_1 = arith.constant 0 : i32
    return %c0_i32, %c0_i32_0 : i32, i32
  }
  func.func @transform_2(%arg0: i32) -> (i32, i32) {
    %c0_i32 = arith.constant 0 : i32
    %c0_i32_0 = arith.constant 0 : i32
    %c0_i32_1 = arith.constant 0 : i32
    return %c0_i32, %c0_i32_0 : i32, i32
  }
  func.func @transform_3(%arg0: i32) -> (i32, i32, i32) {
    %c0_i32 = arith.constant 0 : i32
    %c0_i32_0 = arith.constant 0 : i32
    %c0_i32_1 = arith.constant 0 : i32
    return %arg0, %c0_i32, %c0_i32_0 : i32, i32, i32
  }
  func.func @transform_4(%arg0: i32) -> (i32, i32) {
    %c0_i32 = arith.constant 0 : i32
    %c0_i32_0 = arith.constant 0 : i32
    %c0_i32_1 = arith.constant 0 : i32
    return %c0_i32, %c0_i32_0 : i32, i32
  }
}

</mosaic_0001>

<sc_bundles>
// kernel: kernel.4.cloned.1.call-start
scs
__scs_entry_jumppad:
0x0: {  	(pc) =	sbr.rel $0x88, $3  }
0x1: {  	(tag) =	ssettag $0x0;
	lr =	simm.s32 $0x1  }
0x2: {  	[smem:$0x3F9F] =	sst lr;
	_ =	strace $0xD0000000  }
0x3: {  	_ = 	snop  }
0x4: {  	_ = 	snop  }
0x5: {  	_ = 	snop  }
0x6: {  	_ = 	snop  }
0x7: {  	_ = 	snop  }
__scs_overlays_trampoline_lowered:
0x8: {  	[smem:$0x3FAE] =	sst s0  }
0x9: {  	[smem:$0x3FAF] =	sst s1  }
0xa: {  	[smem:$0x3FB0] =	sst s2  }
0xb: {  	[smem:$0x3FB1] =	sst s3  }
0xc: {  	[smem:$0x3FB2] =	sst s4  }
0xd: {  	[smem:$0x3FB3] =	sst s5  }
0xe: {  	[smem:$0x3FB4] =	sst s6  }
0xf: {  	[smem:$0x3FB5] =	sst s7  }
0x10: {  	[smem:$0x3FB6] =	sst s8  }
0x11: {  	[smem:$0x3FB7] =	sst s9;
	s0 =	simm.s32 @!p0 $0x0  }
0x12: {  	s1 =	sld [smem:$0x3F9D];
	s0 =	simm.s32 @p0 $0x1  }
0x13: {  	[smem:$0x3FB8] =	sst s0;
	s0 =	simm.s32 @!p1 $0x0  }
0x14: {  	s2 =	sld [smem:$0x3F9C];
	s0 =	simm.s32 @p1 $0x1  }
0x15: {  	[smem:$0x3FB9] =	sst s0;
	s0 =	simm.s32 @!p2 $0x0  }
0x16: {  	s3 =	sld [smem:$0x3FDB];
	s0 =	simm.s32 @p2 $0x1  }
0x17: {  	s4 =	simm.s32 $0x1BF5;
	[smem:$0x3FBB] =	sst s0  }
0x18: {  	s0 =	sld [smem:$0x3F9E];
	_ =	swait.ge [sflag:s4], $0x0  }
0x19: {  	s7 =	sld [smem:$0x3F9F]  }
0x1a: {  	s8 =	sadd.s32 $0xFFFFE003, lr  }
0x1b: {  	s9 =	sadd.s32 $0xFFFFFEF7, lr;
	s5 =	simm.s32 $0xFFFFFFFF;
	p2 =	slt.u32 s8, $0xFFFFF086  }
0x1c: {  	p1 =	slt.u32 s9, $0xF7A;
	s5 =	simm.s32 @!p2 $0x0  }
0x1d: {  	s5 =	simm.s32 @p1 $0x1;
	p0 =	seq.s32 s7, s2  }
0x1e: {  	s7 =	smul.u32 @!p0 $0xF7A, s2;
	p2 =	seq.s32 @!p0 s5, $0x0  }
0x1f: {  	s9 =	smul.u32 $0xF7A, s1;
	s8 =	simm.s32 @!p0 $0x1BF5;
	p2 =	por !p2, p0  }
0x20: {  	[sflag:s8] =	ssyncset.s32 @!p0 $0xFFFFF086;
	s6 =	sadd.s32 @!p0 s3, s7;
	s7 =	simm.s32 @!p0 $0x108  }
0x21: {  	s3 =	sadd.s32 s3, s9;
	s6 =	sadd.s32 @!p0 $0x88, s6;
	s7 =	simm.s32 @p2 $0x1082  }
0x22: {  	[simem:s7], [sflag:s8] =	dma.local @!p0 [hbm:s6], $0xF7A  }
0x23: {  	s9 =	sor.u32 $0xD0000000, s2;
	s6 =	simm.s32 $0x108;
	_ =	swait.ge @!p0 [sflag:s8], $0x0  }
0x24: {  	s3 =	sadd.s32 $0x88, s3;
	s6 =	simm.s32 @!p1 $0x1082;
	[sflag:s4] =	ssyncset.s32 $0xFFFFF086  }
0x25: {  	[simem:s6], [sflag:s4] =	dma.local [hbm:s3], $0xF7A  }
0x26: {  	[smem:$0x3F9F] =	sst s1;
	(tag) =	ssettag s2;
	_ =	strace s9  }
0x27: {  	s1 =	sld [smem:$0x3FAF]  }
0x28: {  	s2 =	sld [smem:$0x3FB0]  }
0x29: {  	s4 =	sld [smem:$0x3FB2]  }
0x2a: {  	p0 =	seq.s32 s5, $0x0;
	s5 =	sld [smem:$0x3FB3]  }
0x2b: {  	s6 =	sld [smem:$0x3FB4]  }
0x2c: {  	s7 =	sld [smem:$0x3FB5]  }
0x2d: {  	s3 =	simm.s32 $0x108;
	s8 =	sld [smem:$0x3FB6]  }
0x2e: {  	s3 =	simm.s32 @!p0 $0x1082;
	s9 =	sld [smem:$0x3FB7]  }
0x2f: {  	lr =	sadd.s32 s0, s3;
	s0 =	sld [smem:$0x3FAE]  }
0x30: {  	s3 =	sld [smem:$0x3FB1]  }
0x31: {  	[smem:$0x3FBA] =	sst s10  }
0x32: {  	s10 =	sld [smem:$0x3FB8];
	_ =	sdelay $0x3  }
0x33: {  	p0 =	seq.s32 s10, $0x1;
	s10 =	sld [smem:$0x3FBA];
	_ =	sdelay $0x3  }
0x34: {  	[smem:$0x3FBA] =	sst s10  }
0x35: {  	s10 =	sld [smem:$0x3FB9];
	_ =	sdelay $0x3  }
0x36: {  	p1 =	seq.s32 s10, $0x1;
	s10 =	sld [smem:$0x3FBA];
	_ =	sdelay $0x3  }
0x37: {  	[smem:$0x3FBA] =	sst s10  }
0x38: {  	s10 =	sld [smem:$0x3FBB]  }
0x39: {  	_ = 	snop;
	(pc) =	sbr.ind lr, $3  }
0x3a: {  	_ = 	snop  }
0x3b: {  	_ = 	snop  }
0x3c: {  	p2 =	seq.s32 s10, $0x1;
	s10 =	sld [smem:$0x3FBA]  }
0x3d: {  	_ =	shalt  }
0x3e: {  	_ =	shalt  }
0x3f: {  	_ =	shalt  }
0x40: {  	_ =	shalt  }
0x41: {  	_ =	shalt  }
0x42: {  	_ =	shalt  }
0x43: {  	_ =	shalt  }
0x44: {  	_ =	shalt  }
0x45: {  	_ =	shalt  }
0x46: {  	_ =	shalt  }
0x47: {  	_ =	shalt  }
0x48: {  	_ =	shalt  }
0x49: {  	_ =	shalt  }
0x4a: {  	_ =	shalt  }
0x4b: {  	_ =	shalt  }
0x4c: {  	_ =	shalt  }
0x4d: {  	_ =	shalt  }
0x4e: {  	_ =	shalt  }
0x4f: {  	_ =	shalt  }
0x50: {  	_ =	shalt  }
0x51: {  	_ =	shalt  }
0x52: {  	_ =	shalt  }
0x53: {  	_ =	shalt  }
0x54: {  	_ =	shalt  }
0x55: {  	_ =	shalt  }
0x56: {  	_ =	shalt  }
0x57: {  	_ =	shalt  }
0x58: {  	_ =	shalt  }
0x59: {  	_ =	shalt  }
0x5a: {  	_ =	shalt  }
0x5b: {  	_ =	shalt  }
0x5c: {  	_ =	shalt  }
0x5d: {  	_ =	shalt  }
0x5e: {  	_ =	shalt  }
0x5f: {  	_ =	shalt  }
0x60: {  	_ =	shalt  }
0x61: {  	_ =	shalt  }
0x62: {  	_ =	shalt  }
0x63: {  	_ =	shalt  }
0x64: {  	_ =	shalt  }
0x65: {  	_ =	shalt  }
0x66: {  	_ =	shalt  }
0x67: {  	_ =	shalt  }
0x68: {  	_ =	shalt  }
0x69: {  	_ =	shalt  }
0x6a: {  	_ =	shalt  }
0x6b: {  	_ =	shalt  }
0x6c: {  	_ =	shalt  }
0x6d: {  	_ =	shalt  }
0x6e: {  	_ =	shalt  }
0x6f: {  	_ =	shalt  }
0x70: {  	_ =	shalt  }
0x71: {  	_ =	shalt  }
0x72: {  	_ =	shalt  }
0x73: {  	_ =	shalt  }
0x74: {  	_ =	shalt  }
0x75: {  	_ =	shalt  }
0x76: {  	_ =	shalt  }
0x77: {  	_ =	shalt  }
0x78: {  	_ =	shalt  }
0x79: {  	_ =	shalt  }
0x7a: {  	_ =	shalt  }
0x7b: {  	_ =	shalt  }
0x7c: {  	_ =	shalt  }
0x7d: {  	_ =	shalt  }
0x7e: {  	_ =	shalt  }
0x7f: {  	_ =	shalt  }
0x80: {  	_ =	shalt  }
0x81: {  	_ =	shalt  }
0x82: {  	_ =	shalt  }
0x83: {  	_ =	shalt  }
0x84: {  	_ =	shalt  }
0x85: {  	_ =	shalt  }
0x86: {  	_ =	shalt  }
0x87: {  	_ =	shalt  }
.Lfunc_end0:
.L_simem_size_0:
called_computation_lowered:
.L_overlay_start_0:
0x88: {  	s2 =	sld [smem:$0x3FD9]  }
0x89: {  	s3 =	sld [smem:$0x3FFE];
	_ =	sdelay $0x1  }
0x8a: {  	s1 =	srdreg.scid  }
0x8b: {  	s0 =	sand.u32 $0x1, s1  }
0x8c: {  	s14 =	sshll.u32 s0, $0xA;
	s2 =	sadd.s32 s3, s2  }
0x8d: {  	s2 =	sadd.s32 s2, s14  }
0x8e: {  	[smem:$0x3FC6] =	sst s2  }
0x8f: {  	_ = 	snop  }
0x90: {  	s2 =	sld [smem:$0x3FD0];
	_ =	sdelay $0x2  }
0x91: {  	s4 =	simm.s32 $0xA;
	s5 =	simm.s32 $0x10;
	s15 =	sld [smem:$0x3FC8]  }
0x92: {  	[smem:s5], [sflag:s4] =	dma.local [hbm:s2], $0x1  }
0x93: {  	_ =	swait.eq [sflag:s4], $0x1  }
0x94: {  	[sflag:s4] =	ssyncset.done $0x0  }
0x95: {  	[sflag:s4] =	ssyncadd.s32 $0xFFFFFFFF  }
0x96: {  	s16 =	sld [smem:$0x10];
	(tm) =	ssettm $0x1  }
0x97: {  	s17 =	sld [smem:$0x3FFB];
	_ =	sdelay $0x3  }
0x98: {  	_ =	strace s17  }
0x99: {  	s4 =	sld [smem:$0x3FFC];
	_ =	sdelay $0x3  }
0x9a: {  	_ =	strace s4  }
0x9b: {  	s4 =	sld [smem:$0x3FFD];
	_ =	sdelay $0x3  }
0x9c: {  	_ =	strace s4  }
0x9d: {  	_ =	strace $0x8FFFFFFF  }
0x9e: {  	s18 =	sld [smem:$0x3FDB];
	_ =	sdelay $0x1  }
0x9f: {  	s19 =	simm.s32 $_scs_section_size  }
0xa0: {  	s6 =	simm.s32 $_size__tile_overlayer_lowered;
	s7 =	simm.s32 $_tile_overlayer_lowered  }
0xa1: {  	s22 =	simm.s32 $0x1BFF;
	s21 =	sshll.u32 s7, $0x1;
	s4 =	sadd.s32 s19, s18  }
0xa2: {  	s8 =	simm.s32 $0x0;
	s20 =	sshll.u32 s6, $0x1;
	s6 =	sadd.s32 s21, s4  }
0xa3: {  	[timem:s8], [sflag:s22] =	dma.local [hbm:s6], s20  }
0xa4: {  	_ =	swait.ge [sflag:s22], s20  }
0xa5: {  	s5 =	ssub.s32 $0x0, s20;
	[sflag:s22] =	ssyncset.done $0x0  }
0xa6: {  	[sflag:s22] =	ssyncadd.s32 s5;
	_ =	sdelay $0x1  }
0xa7: {  	s23 =	simm.s32 $0x1B8B  }
0xa8: {  	_ =	swait.ge [sflag:s23], $0x1  }
0xa9: {  	[sflag:s23] =	ssyncset.done $0x0  }
0xaa: {  	s25 =	simm.s32 $0x1B8E;
	s24 =	sld [smem:$0x3FFE];
	[sflag:s23] =	ssyncadd.s32 $0xFFFFFFFF  }
0xab: {  	s26 =	simm.s32 $execute0_lowered;
	[smem:$0x3FD2] =	sst s25  }
0xac: {  	s6 =	sshll.u32 s26, $0x1;
	_ =	strace $0x80000046;
	[dreg:$0x1] =	wrdreg $0xFFFFFFFF  }
0xad: {  	s28 =	simm.s32 $_size_execute0_lowered;
	s4 =	sadd.s32 s4, s6;
	[dreg:$0x0] =	wrdreg $0x0  }
0xae: {  	s6 =	sshll.u32 s28, $0x1;
	[dreg:$0x2] =	wrdreg s4  }
0xaf: {  	[dreg:$0x3] =	wrdreg s6  }
0xb0: {  	[dreg:$0x4] =	wrdreg $0xC0  }
0xb1: {  	_ =	task [dreg:s8], $0x5FFFF  }
0xb2: {  	[dreg:$0x1] =	wrdreg $0xFFFFFFFF  }
0xb3: {  	[dreg:$0x0] =	wrdreg $0x60  }
0xb4: {  	[dreg:$0x2] =	wrdreg s15  }
0xb5: {  	[dreg:$0x3] =	wrdreg s24  }
0xb6: {  	[dreg:$0x4] =	wrdreg s16  }
0xb7: {  	[dreg:$0x5] =	wrdreg $0x9  }
0xb8: {  	_ =	task.clear_ibuf [dreg:s8], $0x6FFFF;
	_ =	strace $0x90000046  }
0xb9: {  	s29 =	simm.s32 $0x9;
	_ =	strace $0x80000048  }
0xba: {  	_ =	swait.ge [sflag:s29], $0x1  }
0xbb: {  	[sflag:s29] =	ssyncadd.s32 $0xFFFFFFFF  }
0xbc: {  	_ =	strace $0x90000048  }
0xbd: {  	_ =	sfence  }
0xbe: {  	s30 =	sld [smem:$0x0];
	_ =	sdelay $0x2  }
0xbf: {  	s31 =	sshll.u32 s1, $0xD;
	s1 =	sshrl.u32 s1, $0x2  }
0xc0: {  	s3 =	sand.u32 $0x4000, s31;
	s1 =	sadd.s32 s1, s30  }
0xc1: {  	s0 =	sor.u32 s3, s0;
	s1 =	sshll.u32 s1, $0x11  }
0xc2: {  	s0 =	sor.u32 s1, s0  }
0xc3: {  	s0 =	sadd.s32 $0x8F2B, s0  }
0xc4: {  	[sflag:s0] =	ssyncadd.remote.s32 $0x1  }
0xc5: {  	_ =	sfence.sel $0xFFFF  }
0xc6: {  	[dreg:$0x0] =	wrdreg $0xFFFFFFFF;
	(pc) =	sbr.abs _section_cstart, $3  }
0xc7: {  	[dreg:$0x1] =	wrdreg $0xFFFFFFFF  }
0xc8: {  	_ =	task.clear_ibuf [dreg:s8], $0x2FFFF;
	_ =	strace $0x9FFFFFFF  }
0xc9: {  	(tm) =	ssettm $0x7FFFFFFF  }
tec
execute0_lowered:
.L_overlay_start_1:
0x0: {  	(tag) =	ssettag $0x1  }
0x1: {  	s2 =	srdreg.scid;
	s1 =	rddreg [dreg:$0x0]  }
0x2: {  	s0 =	stileid.u32;
	s4 =	rddreg [dreg:$0x1]  }
0x3: {  	s6 =	rddreg [dreg:$0x2];
	s15 =	simm.s32 $0x980;
	s16 =	simm.s32 $0x1180  }
0x4: {  	s17 =	simm.s32 $0x1980;
	s2 =	sand.u32 $0x1, s2;
	s3 =	sshll.u32 s0, $0x1  }
0x5: {  	s18 =	simm.s32 $0x2180;
	s5 =	sor.u32 s2, s3;
	s3 =	simm.s32 $0x0  }
0x6: {  	s19 =	simm.s32 $0x2980;
	s20 =	simm.s32 $0x3180;
	[smem:$0x7FF] =	sst s3  }
0x7: {  	s21 =	simm.s32 $0x3980;
	_ =	strace $0x80000047;
	[dreg:$0x6] =	wrdreg s15  }
0x8: {  	s23 =	simm.s32 $0x4180;
	s24 =	simm.s32 $0x4980;
	[dreg:$0x7] =	wrdreg s16  }
0x9: {  	s25 =	simm.s32 $0x5180;
	s26 =	simm.s32 $0x5980;
	[dreg:$0x8] =	wrdreg s17  }
0xa: {  	s8 =	simm.s32 $0x6980;
	s9 =	simm.s32 $0x7180;
	[dreg:$0x9] =	wrdreg s18  }
0xb: {  	s10 =	simm.s32 $0x7980;
	s11 =	simm.s32 $0x8180;
	[dreg:$0xa] =	wrdreg s19  }
0xc: {  	s12 =	simm.s32 $0x8980;
	s13 =	simm.s32 $0x9180;
	[dreg:$0xb] =	wrdreg s20  }
0xd: {  	s28 =	simm.s32 $0x10180;
	s29 =	simm.s32 $0x10980;
	[dreg:$0xc] =	wrdreg s21  }
0xe: {  	s30 =	simm.s32 $0x11180;
	s31 =	simm.s32 $0x11980;
	[dreg:$0xd] =	wrdreg s23  }
0xf: {  	s2 =	ssub.s32 $0x2, s2;
	s7 =	smul.u32 $0x24, s5;
	[dreg:$0xe] =	wrdreg s24  }
0x10: {  	s5 =	smul.u32 $0x2400, s5;
	s22 =	sshrl.u32 s2, $0x1;
	[dreg:$0xf] =	wrdreg s25  }
0x11: {  	s2 =	ssub.s32 s2, s22;
	[dreg:$0x10] =	wrdreg s26;
	s15 =	simm.s32 $0xA180  }
0x12: {  	s16 =	simm.s32 $0xA980;
	s17 =	simm.s32 $0xB180;
	s18 =	simm.s32 $0xB980  }
0x13: {  	s19 =	simm.s32 $0xC180;
	s20 =	simm.s32 $0xC980;
	s21 =	simm.s32 $0xD180  }
0x14: {  	s22 =	simm.s32 $0xD980;
	s23 =	simm.s32 $0xE180;
	s24 =	simm.s32 $0xE980  }
0x15: {  	s25 =	simm.s32 $0xF180;
	s26 =	simm.s32 $0xF980;
	s4 =	sadd.s32 s7, s4  }
0x16: {  	v2 =	vlaneseq.u32;
	s14 =	sadd.s32 s6, s5;
	s5 =	simm.s32 $0x2;
	s6 =	simm.s32 $0x180  }
0x17: {  	vm0 =	vmmov $0xffff;
	v1 =	vshrl.u32 v2, $0x3;
	s4 =	sadd.s32 $0x1000, s4;
	[dreg:$0x5] =	wrdreg s14;
	s14 =	simm.s32 $0x9980  }
0x18: {  	v0 =	vand.u32 $0x7, v2;
	v2 =	vor.u32 $0x8, v2;
	v1 =	vmul.u32 $0x8, v1;
	[dreg:$0x4] =	wrdreg s4;
	s4 =	smax.u32 s2, $0x1;
	s2 =	simm.s32 $0x1  }
.LBB2_1:
0x19: {  	s0 =	rddreg [dreg:$0x4]  }
0x1a: {  	[tilespmem:s3], [sflag:$0x2] =	stream.linear.gather [hbm4b:s0+s3], $0x120, $0x38;
	[tilespmem:$0x12180] =	vst v63  }
0x1b: {  	_ =	swait.ge [sflag:s5], $0x120  }
0x1c: {  	[sflag:s5] =	ssyncset.done $0x0  }
0x1d: {  	[sflag:s5] =	ssyncadd.s32 $0xFFFFFEE0  }
0x1e: {  	v3 =	vld [tilespmem:$0x0];
	_ =	sdelay $0x4  }
0x1f: {  	v4 =	vshll.u32 v3, $0x1  }
0x20: {  	v3 =	vand.u32 $0x7, v3;
	v4 =	vand.u32 $0xFFFFFFF0, v4  }
0x21: {  	v3 =	vor.u32 v3, v4  }
0x22: {  	v4 =	vperm.xlane v3, v0;
	_ =	sdelay $0x1  }
0x23: {  	v3 =	vperm.xlane v3, v2;
	v4 =	vadd.s32 v1, v4;
	_ =	sdelay $0x1  }
0x24: {  	v3 =	vadd.s32 v1, v3;
	_ =	sdelay $0x2  }
0x25: {  	[tilespmem:s6], [sflag:$0x1] =	stream.indirect_vreg.gather [hbm4b:s1+s3], $0x80, v4, vm0, $0xb8;
	[tilespmem:$0x12180] =	vst v63  }
0x26: {  	s7 =	rddreg [dreg:$0x6]  }
0x27: {  	[tilespmem:s7], [sflag:$0x1] =	stream.indirect_vreg.gather [hbm4b:s1+s3], $0x80, v3, vm0, $0xb8;
	[tilespmem:$0x12180] =	vst v63  }
0x28: {  	v3 =	vld [tilespmem:$0x10];
	_ =	sdelay $0x4  }
0x29: {  	v47 =	vshll.u32 v3, $0x1  }
0x2a: {  	v3 =	vand.u32 $0x7, v3;
	v4 =	vand.u32 $0xFFFFFFF0, v47  }
0x2b: {  	v3 =	vor.u32 v3, v4  }
0x2c: {  	v4 =	vperm.xlane v3, v0;
	_ =	sdelay $0x1  }
0x2d: {  	v3 =	vperm.xlane v3, v2;
	v4 =	vadd.s32 v1, v4;
	_ =	sdelay $0x1  }
0x2e: {  	v3 =	vadd.s32 v1, v3;
	_ =	sdelay $0x1  }
0x2f: {  	s0 =	rddreg [dreg:$0x7]  }
0x30: {  	[tilespmem:s0], [sflag:$0x1] =	stream.indirect_vreg.gather [hbm4b:s1+s3], $0x80, v4, vm0, $0xb8;
	[tilespmem:$0x12180] =	vst v63  }
0x31: {  	s7 =	rddreg [dreg:$0x8]  }
0x32: {  	[tilespmem:s7], [sflag:$0x1] =	stream.indirect_vreg.gather [hbm4b:s1+s3], $0x80, v3, vm0, $0xb8;
	[tilespmem:$0x12180] =	vst v63  }
0x33: {  	v3 =	vld [tilespmem:$0x20];
	_ =	sdelay $0x4  }
0x34: {  	v48 =	vshll.u32 v3, $0x1  }
0x35: {  	v3 =	vand.u32 $0x7, v3;
	v4 =	vand.u32 $0xFFFFFFF0, v48  }
0x36: {  	v3 =	vor.u32 v3, v4  }
0x37: {  	v4 =	vperm.xlane v3, v0;
	_ =	sdelay $0x1  }
0x38: {  	v3 =	vperm.xlane v3, v2;
	v4 =	vadd.s32 v1, v4;
	_ =	sdelay $0x1  }
0x39: {  	v3 =	vadd.s32 v1, v3;
	_ =	sdelay $0x1  }
0x3a: {  	s0 =	rddreg [dreg:$0x9]  }
0x3b: {  	[tilespmem:s0], [sflag:$0x1] =	stream.indirect_vreg.gather [hbm4b:s1+s3], $0x80, v4, vm0, $0xb8;
	[tilespmem:$0x12180] =	vst v63  }
0x3c: {  	s7 =	rddreg [dreg:$0xa]  }
0x3d: {  	[tilespmem:s7], [sflag:$0x1] =	stream.indirect_vreg.gather [hbm4b:s1+s3], $0x80, v3, vm0, $0xb8;
	[tilespmem:$0x12180] =	vst v63  }
0x3e: {  	v3 =	vld [tilespmem:$0x30];
	_ =	sdelay $0x4  }
0x3f: {  	v49 =	vshll.u32 v3, $0x1  }
0x40: {  	v3 =	vand.u32 $0x7, v3;
	v4 =	vand.u32 $0xFFFFFFF0, v49  }
0x41: {  	v3 =	vor.u32 v3, v4  }
0x42: {  	v4 =	vperm.xlane v3, v0;
	_ =	sdelay $0x1  }
0x43: {  	v3 =	vperm.xlane v3, v2;
	v4 =	vadd.s32 v1, v4;
	_ =	sdelay $0x1  }
0x44: {  	v3 =	vadd.s32 v1, v3;
	_ =	sdelay $0x1  }
0x45: {  	s0 =	rddreg [dreg:$0xb]  }
0x46: {  	[tilespmem:s0], [sflag:$0x1] =	stream.indirect_vreg.gather [hbm4b:s1+s3], $0x80, v4, vm0, $0xb8;
	[tilespmem:$0x12180] =	vst v63  }
0x47: {  	s7 =	rddreg [dreg:$0xc]  }
0x48: {  	[tilespmem:s7], [sflag:$0x1] =	stream.indirect_vreg.gather [hbm4b:s1+s3], $0x80, v3, vm0, $0xb8;
	[tilespmem:$0x12180] =	vst v63  }
0x49: {  	v3 =	vld [tilespmem:$0x40];
	_ =	sdelay $0x4  }
0x4a: {  	v50 =	vshll.u32 v3, $0x1  }
0x4b: {  	v3 =	vand.u32 $0x7, v3;
	v4 =	vand.u32 $0xFFFFFFF0, v50  }
0x4c: {  	v3 =	vor.u32 v3, v4  }
0x4d: {  	v4 =	vperm.xlane v3, v0;
	_ =	sdelay $0x1  }
0x4e: {  	v3 =	vperm.xlane v3, v2;
	v4 =	vadd.s32 v1, v4;
	_ =	sdelay $0x1  }
0x4f: {  	v3 =	vadd.s32 v1, v3;
	_ =	sdelay $0x1  }
0x50: {  	s0 =	rddreg [dreg:$0xd]  }
0x51: {  	[tilespmem:s0], [sflag:$0x1] =	stream.indirect_vreg.gather [hbm4b:s1+s3], $0x80, v4, vm0, $0xb8;
	[tilespmem:$0x12180] =	vst v63  }
0x52: {  	s7 =	rddreg [dreg:$0xe]  }
0x53: {  	[tilespmem:s7], [sflag:$0x1] =	stream.indirect_vreg.gather [hbm4b:s1+s3], $0x80, v3, vm0, $0xb8;
	[tilespmem:$0x12180] =	vst v63  }
0x54: {  	v3 =	vld [tilespmem:$0x50];
	_ =	sdelay $0x4  }
0x55: {  	v51 =	vshll.u32 v3, $0x1  }
0x56: {  	v3 =	vand.u32 $0x7, v3;
	v4 =	vand.u32 $0xFFFFFFF0, v51  }
0x57: {  	v3 =	vor.u32 v3, v4  }
0x58: {  	v4 =	vperm.xlane v3, v0;
	_ =	sdelay $0x1  }
0x59: {  	v3 =	vperm.xlane v3, v2;
	v4 =	vadd.s32 v1, v4;
	_ =	sdelay $0x1  }
0x5a: {  	v3 =	vadd.s32 v1, v3;
	_ =	sdelay $0x1  }
0x5b: {  	s0 =	rddreg [dreg:$0xf]  }
0x5c: {  	[tilespmem:s0], [sflag:$0x1] =	stream.indirect_vreg.gather [hbm4b:s1+s3], $0x80, v4, vm0, $0xb8;
	[tilespmem:$0x12180] =	vst v63  }
0x5d: {  	s7 =	rddreg [dreg:$0x10]  }
0x5e: {  	[tilespmem:s7], [sflag:$0x1] =	stream.indirect_vreg.gather [hbm4b:s1+s3], $0x80, v3, vm0, $0xb8;
	[tilespmem:$0x12180] =	vst v63  }
0x5f: {  	v3 =	vld [tilespmem:$0x60];
	_ =	sdelay $0x4  }
0x60: {  	v52 =	vshll.u32 v3, $0x1  }
0x61: {  	v3 =	vand.u32 $0x7, v3;
	v4 =	vand.u32 $0xFFFFFFF0, v52  }
0x62: {  	v3 =	vor.u32 v3, v4  }
0x63: {  	v4 =	vperm.xlane v3, v0;
	_ =	sdelay $0x1  }
0x64: {  	v3 =	vperm.xlane v3, v2;
	v4 =	vadd.s32 v1, v4;
	_ =	sdelay $0x1  }
0x65: {  	v3 =	vadd.s32 v1, v3;
	_ =	sdelay $0x1  }
0x66: {  	s7 =	simm.s32 $0x6180  }
0x67: {  	[tilespmem:s7], [sflag:$0x1] =	stream.indirect_vreg.gather [hbm4b:s1+s3], $0x80, v4, vm0, $0xb8;
	[tilespmem:$0x12180] =	vst v63  }
0x68: {  	_ = 	snop  }
0x69: {  	[tilespmem:s8], [sflag:$0x1] =	stream.indirect_vreg.gather [hbm4b:s1+s3], $0x80, v3, vm0, $0xb8;
	[tilespmem:$0x12180] =	vst v63  }
0x6a: {  	v3 =	vld [tilespmem:$0x70];
	_ =	sdelay $0x4  }
0x6b: {  	v53 =	vshll.u32 v3, $0x1  }
0x6c: {  	v3 =	vand.u32 $0x7, v3;
	v4 =	vand.u32 $0xFFFFFFF0, v53  }
0x6d: {  	v3 =	vor.u32 v3, v4  }
0x6e: {  	v4 =	vperm.xlane v3, v0;
	_ =	sdelay $0x1  }
0x6f: {  	v3 =	vperm.xlane v3, v2;
	v4 =	vadd.s32 v1, v4;
	_ =	sdelay $0x1  }
0x70: {  	v3 =	vadd.s32 v1, v3;
	_ =	sdelay $0x2  }
0x71: {  	[tilespmem:s9], [sflag:$0x1] =	stream.indirect_vreg.gather [hbm4b:s1+s3], $0x80, v4, vm0, $0xb8;
	[tilespmem:$0x12180] =	vst v63  }
0x72: {  	_ = 	snop  }
0x73: {  	[tilespmem:s10], [sflag:$0x1] =	stream.indirect_vreg.gather [hbm4b:s1+s3], $0x80, v3, vm0, $0xb8;
	[tilespmem:$0x12180] =	vst v63  }
0x74: {  	v3 =	vld [tilespmem:$0x80];
	_ =	sdelay $0x4  }
0x75: {  	v54 =	vshll.u32 v3, $0x1  }
0x76: {  	v3 =	vand.u32 $0x7, v3;
	v4 =	vand.u32 $0xFFFFFFF0, v54  }
0x77: {  	v3 =	vor.u32 v3, v4  }
0x78: {  	v4 =	vperm.xlane v3, v0;
	_ =	sdelay $0x1  }
0x79: {  	v3 =	vperm.xlane v3, v2;
	v4 =	vadd.s32 v1, v4;
	_ =	sdelay $0x1  }
0x7a: {  	v3 =	vadd.s32 v1, v3;
	_ =	sdelay $0x2  }
0x7b: {  	[tilespmem:s11], [sflag:$0x1] =	stream.indirect_vreg.gather [hbm4b:s1+s3], $0x80, v4, vm0, $0xb8;
	[tilespmem:$0x12180] =	vst v63  }
0x7c: {  	_ = 	snop  }
0x7d: {  	[tilespmem:s12], [sflag:$0x1] =	stream.indirect_vreg.gather [hbm4b:s1+s3], $0x80, v3, vm0, $0xb8;
	[tilespmem:$0x12180] =	vst v63  }
0x7e: {  	v3 =	vld [tilespmem:$0x90];
	_ =	sdelay $0x4  }
0x7f: {  	v55 =	vshll.u32 v3, $0x1  }
0x80: {  	v3 =	vand.u32 $0x7, v3;
	v4 =	vand.u32 $0xFFFFFFF0, v55  }
0x81: {  	v3 =	vor.u32 v3, v4  }
0x82: {  	v4 =	vperm.xlane v3, v0;
	_ =	sdelay $0x1  }
0x83: {  	v3 =	vperm.xlane v3, v2;
	v4 =	vadd.s32 v1, v4;
	_ =	sdelay $0x1  }
0x84: {  	v3 =	vadd.s32 v1, v3;
	_ =	sdelay $0x2  }
0x85: {  	[tilespmem:s13], [sflag:$0x1] =	stream.indirect_vreg.gather [hbm4b:s1+s3], $0x80, v4, vm0, $0xb8;
	[tilespmem:$0x12180] =	vst v63  }
0x86: {  	_ = 	snop  }
0x87: {  	[tilespmem:s14], [sflag:$0x1] =	stream.indirect_vreg.gather [hbm4b:s1+s3], $0x80, v3, vm0, $0xb8;
	[tilespmem:$0x12180] =	vst v63  }
0x88: {  	v3 =	vld [tilespmem:$0xA0];
	_ =	sdelay $0x4  }
0x89: {  	v56 =	vshll.u32 v3, $0x1  }
0x8a: {  	v3 =	vand.u32 $0x7, v3;
	v4 =	vand.u32 $0xFFFFFFF0, v56  }
0x8b: {  	v3 =	vor.u32 v3, v4  }
0x8c: {  	v4 =	vperm.xlane v3, v0;
	_ =	sdelay $0x1  }
0x8d: {  	v3 =	vperm.xlane v3, v2;
	v4 =	vadd.s32 v1, v4;
	_ =	sdelay $0x1  }
0x8e: {  	v3 =	vadd.s32 v1, v3;
	_ =	sdelay $0x2  }
0x8f: {  	[tilespmem:s15], [sflag:$0x1] =	stream.indirect_vreg.gather [hbm4b:s1+s3], $0x80, v4, vm0, $0xb8;
	[tilespmem:$0x12180] =	vst v63  }
0x90: {  	_ = 	snop  }
0x91: {  	[tilespmem:s16], [sflag:$0x1] =	stream.indirect_vreg.gather [hbm4b:s1+s3], $0x80, v3, vm0, $0xb8;
	[tilespmem:$0x12180] =	vst v63  }
0x92: {  	v3 =	vld [tilespmem:$0xB0];
	_ =	sdelay $0x4  }
0x93: {  	v57 =	vshll.u32 v3, $0x1  }
0x94: {  	v3 =	vand.u32 $0x7, v3;
	v4 =	vand.u32 $0xFFFFFFF0, v57  }
0x95: {  	v3 =	vor.u32 v3, v4  }
0x96: {  	v4 =	vperm.xlane v3, v0;
	_ =	sdelay $0x1  }
0x97: {  	v3 =	vperm.xlane v3, v2;
	v4 =	vadd.s32 v1, v4;
	_ =	sdelay $0x1  }
0x98: {  	v3 =	vadd.s32 v1, v3;
	_ =	sdelay $0x2  }
0x99: {  	[tilespmem:s17], [sflag:$0x1] =	stream.indirect_vreg.gather [hbm4b:s1+s3], $0x80, v4, vm0, $0xb8;
	[tilespmem:$0x12180] =	vst v63  }
0x9a: {  	_ = 	snop  }
0x9b: {  	[tilespmem:s18], [sflag:$0x1] =	stream.indirect_vreg.gather [hbm4b:s1+s3], $0x80, v3, vm0, $0xb8;
	[tilespmem:$0x12180] =	vst v63  }
0x9c: {  	v3 =	vld [tilespmem:$0xC0];
	_ =	sdelay $0x4  }
0x9d: {  	v58 =	vshll.u32 v3, $0x1  }
0x9e: {  	v3 =	vand.u32 $0x7, v3;
	v4 =	vand.u32 $0xFFFFFFF0, v58  }
0x9f: {  	v3 =	vor.u32 v3, v4  }
0xa0: {  	v4 =	vperm.xlane v3, v0;
	_ =	sdelay $0x1  }
0xa1: {  	v3 =	vperm.xlane v3, v2;
	v4 =	vadd.s32 v1, v4;
	_ =	sdelay $0x1  }
0xa2: {  	v3 =	vadd.s32 v1, v3;
	_ =	sdelay $0x2  }
0xa3: {  	[tilespmem:s19], [sflag:$0x1] =	stream.indirect_vreg.gather [hbm4b:s1+s3], $0x80, v4, vm0, $0xb8;
	[tilespmem:$0x12180] =	vst v63  }
0xa4: {  	_ = 	snop  }
0xa5: {  	[tilespmem:s20], [sflag:$0x1] =	stream.indirect_vreg.gather [hbm4b:s1+s3], $0x80, v3, vm0, $0xb8;
	[tilespmem:$0x12180] =	vst v63  }
0xa6: {  	v3 =	vld [tilespmem:$0xD0];
	_ =	sdelay $0x4  }
0xa7: {  	v59 =	vshll.u32 v3, $0x1  }
0xa8: {  	v3 =	vand.u32 $0x7, v3;
	v4 =	vand.u32 $0xFFFFFFF0, v59  }
0xa9: {  	v3 =	vor.u32 v3, v4  }
0xaa: {  	v4 =	vperm.xlane v3, v0;
	_ =	sdelay $0x1  }
0xab: {  	v3 =	vperm.xlane v3, v2;
	v4 =	vadd.s32 v1, v4;
	_ =	sdelay $0x1  }
0xac: {  	v3 =	vadd.s32 v1, v3;
	_ =	sdelay $0x2  }
0xad: {  	[tilespmem:s21], [sflag:$0x1] =	stream.indirect_vreg.gather [hbm4b:s1+s3], $0x80, v4, vm0, $0xb8;
	[tilespmem:$0x12180] =	vst v63  }
0xae: {  	_ = 	snop  }
0xaf: {  	[tilespmem:s22], [sflag:$0x1] =	stream.indirect_vreg.gather [hbm4b:s1+s3], $0x80, v3, vm0, $0xb8;
	[tilespmem:$0x12180] =	vst v63  }
0xb0: {  	v3 =	vld [tilespmem:$0xE0];
	_ =	sdelay $0x4  }
0xb1: {  	v60 =	vshll.u32 v3, $0x1  }
0xb2: {  	v3 =	vand.u32 $0x7, v3;
	v4 =	vand.u32 $0xFFFFFFF0, v60  }
0xb3: {  	v3 =	vor.u32 v3, v4  }
0xb4: {  	v4 =	vperm.xlane v3, v0;
	_ =	sdelay $0x1  }
0xb5: {  	v3 =	vperm.xlane v3, v2;
	v4 =	vadd.s32 v1, v4;
	_ =	sdelay $0x1  }
0xb6: {  	v3 =	vadd.s32 v1, v3;
	_ =	sdelay $0x2  }
0xb7: {  	[tilespmem:s23], [sflag:$0x1] =	stream.indirect_vreg.gather [hbm4b:s1+s3], $0x80, v4, vm0, $0xb8;
	[tilespmem:$0x12180] =	vst v63  }
0xb8: {  	_ = 	snop  }
0xb9: {  	[tilespmem:s24], [sflag:$0x1] =	stream.indirect_vreg.gather [hbm4b:s1+s3], $0x80, v3, vm0, $0xb8;
	[tilespmem:$0x12180] =	vst v63  }
0xba: {  	v3 =	vld [tilespmem:$0xF0];
	_ =	sdelay $0x4  }
0xbb: {  	v61 =	vshll.u32 v3, $0x1  }
0xbc: {  	v3 =	vand.u32 $0x7, v3;
	v4 =	vand.u32 $0xFFFFFFF0, v61  }
0xbd: {  	v3 =	vor.u32 v3, v4  }
0xbe: {  	v4 =	vperm.xlane v3, v0;
	_ =	sdelay $0x1  }
0xbf: {  	v3 =	vperm.xlane v3, v2;
	v4 =	vadd.s32 v1, v4;
	_ =	sdelay $0x1  }
0xc0: {  	v3 =	vadd.s32 v1, v3;
	_ =	sdelay $0x2  }
0xc1: {  	[tilespmem:s25], [sflag:$0x1] =	stream.indirect_vreg.gather [hbm4b:s1+s3], $0x80, v4, vm0, $0xb8;
	[tilespmem:$0x12180] =	vst v63  }
0xc2: {  	_ = 	snop  }
0xc3: {  	[tilespmem:s26], [sflag:$0x1] =	stream.indirect_vreg.gather [hbm4b:s1+s3], $0x80, v3, vm0, $0xb8;
	[tilespmem:$0x12180] =	vst v63  }
0xc4: {  	v3 =	vld [tilespmem:$0x100];
	_ =	sdelay $0x4  }
0xc5: {  	v62 =	vshll.u32 v3, $0x1  }
0xc6: {  	v3 =	vand.u32 $0x7, v3;
	v4 =	vand.u32 $0xFFFFFFF0, v62  }
0xc7: {  	v3 =	vor.u32 v3, v4  }
0xc8: {  	v4 =	vperm.xlane v3, v0;
	_ =	sdelay $0x1  }
0xc9: {  	v3 =	vperm.xlane v3, v2;
	v4 =	vadd.s32 v1, v4;
	_ =	sdelay $0x1  }
0xca: {  	v3 =	vadd.s32 v1, v3;
	_ =	sdelay $0x2  }
0xcb: {  	[tilespmem:s28], [sflag:$0x1] =	stream.indirect_vreg.gather [hbm4b:s1+s3], $0x80, v4, vm0, $0xb8;
	[tilespmem:$0x12180] =	vst v63  }
0xcc: {  	_ = 	snop  }
0xcd: {  	[tilespmem:s29], [sflag:$0x1] =	stream.indirect_vreg.gather [hbm4b:s1+s3], $0x80, v3, vm0, $0xb8;
	[tilespmem:$0x12180] =	vst v63  }
0xce: {  	v3 =	vld [tilespmem:$0x110];
	_ =	sdelay $0x4  }
0xcf: {  	v63 =	vshll.u32 v3, $0x1  }
0xd0: {  	v3 =	vand.u32 $0x7, v3;
	v4 =	vand.u32 $0xFFFFFFF0, v63  }
0xd1: {  	v3 =	vor.u32 v3, v4  }
0xd2: {  	v4 =	vperm.xlane v3, v0;
	_ =	sdelay $0x1  }
0xd3: {  	v3 =	vperm.xlane v3, v2;
	v4 =	vadd.s32 v1, v4;
	_ =	sdelay $0x1  }
0xd4: {  	v3 =	vadd.s32 v1, v3;
	_ =	sdelay $0x2  }
0xd5: {  	[tilespmem:s30], [sflag:$0x1] =	stream.indirect_vreg.gather [hbm4b:s1+s3], $0x80, v4, vm0, $0xb8;
	[tilespmem:$0x12180] =	vst v63  }
0xd6: {  	_ = 	snop  }
0xd7: {  	[tilespmem:s31], [sflag:$0x1] =	stream.indirect_vreg.gather [hbm4b:s1+s3], $0x80, v3, vm0, $0xb8;
	[tilespmem:$0x12180] =	vst v63  }
0xd8: {  	_ =	swait.ge [sflag:s2], $0x12000  }
0xd9: {  	p0 =	sne.s32 s4, $0x1;
	[sflag:s2] =	ssyncset.done $0x0  }
.Ltmp0:
0xda: {  	s7 =	rddreg [dreg:$0x5];
	[sflag:s2] =	ssyncadd.s32 $0xFFFEE000;
	(pc) =	sbr.rel @p0 .LBB2_1-.Ltmp0, $4  }
0xdb: {  	[hbm4b:s7+s3] =	stream.linear.scatter [tilespmem:s6], [sflag:$0x2], $0x12000, $0x38;
	[tilespmem:$0x12180] =	vst v63  }
0xdc: {  	_ =	swait.ge [sflag:s5], $0x12000  }
0xdd: {  	[sflag:s5] =	ssyncset.done $0x0  }
0xde: {  	s4 =	sadd.s32 $0xFFFFFFFF, s4;
	[sflag:s5] =	ssyncadd.s32 $0xFFFEE000  }
0xdf: {  	_ =	sfence.sel $0x180000  }
0xe0: {  	[bflag:$0x0] =	sbarrier.arrive $0xFFFF  }
0xe1: {  	_ =	strace $0x90000047  }
0xe2: {  	s0 =	stileid.u32;
	[bflag:$0x2] =	sbarrier.arrive $0xFFFF  }
0xe3: {  	p0 =	sne.s32 s0, $0x0;
	s0 =	rddreg [dreg:$0x3]  }
0xe4: {  	s0 =	sadd.s32 @!p0 $0x100000, s0  }
0xe5: {  	[sflag:s0] =	ssyncadd.tile.s32 @!p0 $0x1;
	_ =	shalt  }
.Lfunc_end2:
_tile_overlayer_lowered:
.L_overlay_start_2:
0xe6: {  	(tag) =	ssettag $0x2  }
0xe7: {  	s0 =	rddreg [dreg:$0x0];
	s2 =	stileid.u32  }
0xe8: {  	s1 =	rddreg [dreg:$0x1];
	p0 =	sne.s32 s2, $0x0  }
0xe9: {  	s3 =	rddreg [dreg:$0x2];
	[bflag:$0x3] =	sbarrier.arrive $0xFFFF;
	s2 =	simm.s32 @!p0 $0x1C02  }
0xea: {  	[timem:s3], [sflag:s2] =	dma.local @!p0 [hbm:s0], s1  }
0xeb: {  	s0 =	simm.s32 @!p0 $0x2  }
0xec: {  	_ =	swait.ge @!p0 [sflag:s0], s1  }
0xed: {  	s1 =	ssub.s32 @!p0 $0x0, s1;
	[sflag:s0] =	ssyncset.done @!p0 $0x0  }
0xee: {  	[sflag:s0] =	ssyncadd.s32 @!p0 s1  }
0xef: {  	[bflag:$0x3] =	sbarrier.arrive $0xFFFF  }
0xf0: {  	_ =	shalt  }

</sc_bundles>
